<compile_context>
chip_gen: v7x
topology: tpu7x:2x2x1
jax: 0.10.2.dev20260603
libtpu: 0.0.44.dev20260713+nightly
codegen_flags: <defaults>
</compile_context>

<pallas_src>
import functools

import jax
import jax.numpy as jnp
from jax import lax
from jax.experimental import pallas as pl
from jax.experimental.pallas import tpu as pltpu
from jax.experimental.pallas import tpu_sc as plsc

N_NODES = 10000
N_EDGES = 320000
D = 128
DH = 64

NC = 2
NS = 16
EDGES_PER_TILE = N_EDGES // NS
CHUNK = 125
NCHUNK = EDGES_PER_TILE // CHUNK
TAIL0 = CHUNK - 16
NPAD = 10240
RPT = NPAD // NS
HR = NPAD // 16
XV_LEN = 2 * N_NODES - 1

_sc_mesh = plsc.VectorSubcoreMesh(
    core_axis_name="c", subcore_axis_name="s", num_cores=NC, num_subcores=NS
)


@functools.partial(
    pl.kernel,
    out_type=(
        jax.ShapeDtypeStruct((NC, NPAD, DH), jnp.float32),
        jax.ShapeDtypeStruct((HR, 16), jnp.float32),
    ),
    mesh=_sc_mesh,
    scratch_types=[
        pltpu.VMEM((NCHUNK, CHUNK), jnp.int32),
        pltpu.VMEM((NCHUNK, CHUNK), jnp.int32),
        pltpu.VMEM((4, CHUNK, DH), jnp.float32),
        pltpu.VMEM((HR, 16), jnp.float32),
        pltpu.VMEM((HR // 128, 128), jnp.int32),
        pltpu.VMEM_SHARED((NPAD, DH), jnp.float32),
        pltpu.VMEM_SHARED((HR, 16), jnp.float32),
        pltpu.SemaphoreType.DMA,
        pltpu.SemaphoreType.DMA,
        pltpu.SemaphoreType.DMA,
        pltpu.SemaphoreType.DMA,
        pltpu.SemaphoreType.DMA,
    ],
    compiler_params=pltpu.CompilerParams(
        use_tc_tiling_on_sc=False, needs_layout_passes=False
    ),
)
def _aggregate(x_hbm, edges_hbm, zrows_hbm, zhist_hbm, iota_hbm,
               outf_hbm, outd_hbm,
               src_v, dst_v, rows_v, hist_v, iota_v,
               acc_sh, deg_sh, gsem0, gsem1, gsem2, gsem3, ssem):
    cid = lax.axis_index("c")
    sid = lax.axis_index("s")
    xp = x_hbm.at[pl.ds(cid, XV_LEN)]

    pltpu.sync_copy(edges_hbm.at[0, sid], src_v)
    pltpu.sync_copy(edges_hbm.at[1, sid], dst_v)
    pltpu.sync_copy(iota_hbm, iota_v)

    pltpu.sync_copy(zrows_hbm, acc_sh.at[pl.ds(sid * RPT, RPT)])
    pltpu.sync_copy(zhist_hbm, hist_v)
    pltpu.sync_copy(
        zhist_hbm.at[pl.ds(0, RPT // 16)],
        deg_sh.at[pl.ds(sid * (RPT // 16), RPT // 16)],
    )
    plsc.subcore_barrier()

    gsems = (gsem0, gsem1, gsem2, gsem3)
    ones16 = jnp.full((16,), 1.0, jnp.float32)
    tailmask = jnp.arange(16, dtype=jnp.int32) >= (112 - TAIL0)

    for b in range(3):
        pltpu.async_copy(xp.at[src_v.at[b]], rows_v.at[b], gsems[b % 4])

    def hist_row(t):
        for k in range(7):
            dd = dst_v[t, pl.ds(k * 16, 16)]
            plsc.addupdate_scatter(hist_v, [dd >> 4, dd & 15], ones16)
        dd = dst_v[t, pl.ds(TAIL0, 16)]
        plsc.addupdate_scatter(hist_v, [dd >> 4, dd & 15], ones16, mask=tailmask)

    def scatter_wait(t):
        pltpu.make_async_copy(rows_v.at[0], acc_sh.at[dst_v.at[t]], ssem).wait()

    def body(jj, _):
        for b in range(4):
            t = 4 * jj + b
            pltpu.make_async_copy(
                xp.at[src_v.at[t]], rows_v.at[b], gsems[b]
            ).wait()
            pltpu.async_copy(rows_v.at[b], acc_sh.at[dst_v.at[t]], ssem, add=True)
            hist_row(t)

            @pl.when(t >= 1)
            def _():
                scatter_wait(t - 1)

            @pl.when(t + 3 < NCHUNK)
            def _():
                pltpu.async_copy(
                    xp.at[src_v.at[t + 3]], rows_v.at[(b + 3) % 4],
                    gsems[(b + 3) % 4],
                )

        return 0

    lax.fori_loop(0, NCHUNK // 4, body, 0)
    scatter_wait(NCHUNK - 1)

    for c5 in range(HR // 128):
        pltpu.sync_copy(
            hist_v.at[pl.ds(c5 * 128, 128)],
            deg_sh.at[iota_v.at[c5]],
            add=True,
        )

    plsc.subcore_barrier()

    row0 = sid * RPT
    pltpu.sync_copy(acc_sh.at[pl.ds(row0, RPT)], outf_hbm.at[cid, pl.ds(row0, RPT)])

    @pl.when((cid == 0) & (sid == 0))
    def _():
        pltpu.sync_copy(deg_sh, outd_hbm)


NPAIR = N_NODES // 2
PBLK = 1000


def _finish_body(pv_ref, dv_ref, w_ref, b_ref, out_ref):
    a = pv_ref[0]
    bb = pv_ref[1]
    h_e = jnp.concatenate([a[:, :DH], bb[:, :DH]], axis=1)
    h_o = jnp.concatenate([a[:, DH:], bb[:, DH:]], axis=1)
    inv = 1.0 / jnp.maximum(dv_ref[...], 1.0)
    w = w_ref[...]
    dims = (((1,), (1,)), ((), ()))
    o_e = (
        lax.dot_general(h_e, w, dims, preferred_element_type=jnp.float32)
        * inv[:, 0:1] + b_ref[...] + 0.01
    )
    o_o = (
        lax.dot_general(h_o, w, dims, preferred_element_type=jnp.float32)
        * inv[:, 1:2] + b_ref[...] + 0.01
    )
    pair = jnp.concatenate([o_e[:, None, :], o_o[:, None, :]], axis=1)
    out_ref[...] = pair.reshape(2 * PBLK, D)


_finish = pl.pallas_call(
    _finish_body,
    grid=(NPAIR // PBLK,),
    in_specs=[
        pl.BlockSpec((NC, PBLK, D), lambda i: (0, i, 0)),
        pl.BlockSpec((PBLK, 2), lambda i: (i, 0)),
        pl.BlockSpec((D, D), lambda i: (0, 0)),
        pl.BlockSpec((1, D), lambda i: (0, 0)),
    ],
    out_specs=pl.BlockSpec((2 * PBLK, D), lambda i: (i, 0)),
    out_shape=jax.ShapeDtypeStruct((N_NODES, D), jnp.float32),
)


@jax.jit
def kernel(x, edge_index, W_neigh, b_neigh):
    xv = x.reshape(2 * N_NODES, DH)
    em = edge_index * jnp.array([[2], [1]], jnp.int32)
    edges = em.reshape(2, NS, NCHUNK, CHUNK)
    zrows = jnp.zeros((RPT, DH), jnp.float32)
    zhist = jnp.zeros((HR, 16), jnp.float32)
    iota = jnp.arange(HR, dtype=jnp.int32).reshape(HR // 128, 128)
    parts, deg = _aggregate(xv, edges, zrows, zhist, iota)
    pv = parts.reshape(NC, NPAD // 2, D)
    dv = deg.reshape(NPAD // 2, 2)[:NPAIR]
    return _finish(pv, dv, W_neigh, b_neigh.reshape(1, D))

# --- scband reference (transcript-rebuilt; emitter-appended) ---
"""Pipeline reference for scband-sageconv-91225105367498 (READ-ONLY COPY).

The authoritative reference and input builder live on the scoring server;
editing this copy changes nothing except your own understanding.
"""

import jax, jax.numpy as jnp
import numpy as np

N = 10000
E = 320000
D_IN = 128
D_OUT = 128


def setup_inputs(seed: int = 0) -> dict:
    key = jax.random.key(seed)
    k1, k2, k3, k4 = jax.random.split(key, 4)
    x = jax.random.normal(k1, (N, D_IN), dtype=jnp.float32)
    edge_index = jax.random.randint(k2, (2, E), 0, N).astype(jnp.int32)
    # fc_neigh parameters (xavier-ish scale)
    W_neigh = jax.random.normal(k3, (D_OUT, D_IN), dtype=jnp.float32) * 0.05
    b_neigh = jax.random.normal(k4, (D_OUT,), dtype=jnp.float32) * 0.05
    return {"x": x, "edge_index": edge_index, "W_neigh": W_neigh, "b_neigh": b_neigh}


def reference(x, edge_index, W_neigh, b_neigh):
    # SAGEConv 'mean' aggregation, feat_drop=0 (identity in eval), no activation/norm.
    src = edge_index[0]
    dst = edge_index[1]
    # message: copy_u -> gather source features along edges
    msgs = jnp.take(x, src, axis=0)  # [E, D_IN]
    # mean reduce per destination node
    summed = jax.ops.segment_sum(msgs, dst, num_segments=N)  # [N, D_IN]
    deg = jax.ops.segment_sum(jnp.ones((E,), dtype=x.dtype), dst, num_segments=N)  # [N]
    h_neigh = summed / jnp.maximum(deg, 1.0)[:, None]  # zero for isolated nodes (DGL semantics)
    # rst = fc_neigh(h_neigh) + 0.01
    rst = h_neigh @ W_neigh.T + b_neigh + 0.01
    return rst

if __name__ == "__main__":
    import jax
    _d = setup_inputs()
    print(jax.jit(kernel)(*tuple(_d.values())))

</pallas_src>

<mosaic_0001>
#map = affine_map<(d0, d1) -> (0, 0)>
#map1 = affine_map<(d0, d1) -> (0, 0, 0, 0)>
#map2 = affine_map<(d0, d1) -> (0, 0, 0)>
module attributes {stable_mosaic.version = 14 : i64} {
  func.func @_aggregate(%arg0: i32, %arg1: i32, %arg2: memref<20000x64xf32, #tpu.memory_space<hbm>>, %arg3: memref<2x16x160x125xi32, #tpu.memory_space<hbm>>, %arg4: memref<640x64xf32, #tpu.memory_space<hbm>>, %arg5: memref<640x16xf32, #tpu.memory_space<hbm>>, %arg6: memref<5x128xi32, #tpu.memory_space<hbm>>, %arg7: memref<2x10240x64xf32, #tpu.memory_space<hbm>>, %arg8: memref<640x16xf32, #tpu.memory_space<hbm>>, %arg9: memref<160x125xi32, #tpu.memory_space<vmem>>, %arg10: memref<160x125xi32, #tpu.memory_space<vmem>>, %arg11: memref<4x125x64xf32, #tpu.memory_space<vmem>>, %arg12: memref<640x16xf32, #tpu.memory_space<vmem>>, %arg13: memref<5x128xi32, #tpu.memory_space<vmem>>, %arg14: memref<10240x64xf32, #tpu.memory_space<vmem_shared>>, %arg15: memref<640x16xf32, #tpu.memory_space<vmem_shared>>, %arg16: memref<!tpu.dma_semaphore, #tpu.memory_space<semaphore_mem>>, %arg17: memref<!tpu.dma_semaphore, #tpu.memory_space<semaphore_mem>>, %arg18: memref<!tpu.dma_semaphore, #tpu.memory_space<semaphore_mem>>, %arg19: memref<!tpu.dma_semaphore, #tpu.memory_space<semaphore_mem>>, %arg20: memref<!tpu.dma_semaphore, #tpu.memory_space<semaphore_mem>>) attributes {dimension_semantics = [#tpu.dimension_semantics<core_parallel>, #tpu.dimension_semantics<subcore_parallel>], iteration_bounds = array<i64: 2, 16>, scalar_prefetch = 0 : i64, scratch_operands = 12 : i64, tpu.core_type = #tpu.core_type<sc_vector_subcore>, window_params = [{transform_indices = #map}, {transform_indices = #map1}, {transform_indices = #map}, {transform_indices = #map}, {transform_indices = #map}, {transform_indices = #map2}, {transform_indices = #map}]} {
    %run_scoped3A = arith.constant 0 : i32
    "tpu.region"() ({
      %run_scoped3A_77 = tpu.sem_alloc : memref<!tpu.dma_semaphore, #tpu.memory_space<semaphore_mem>>
      %dma_start3A_78 = arith.constant 0 : i32
      %dma_start3A_79 = arith.constant 0 : i32
      %dma_start3A_80 = tpu.memref_slice %arg3[%run_scoped3A, %arg1, %dma_start3A_78, %dma_start3A_79] : memref<2x16x160x125xi32, #tpu.memory_space<hbm>> -> memref<1x1x160x125xi32, #tpu.memory_space<hbm>>
      %dma_start3A_81 = tpu.memref_squeeze %dma_start3A_80 : memref<1x1x160x125xi32, #tpu.memory_space<hbm>> -> memref<160x125xi32, #tpu.memory_space<hbm>>
      %dma_start3A_82 = arith.constant 0 : i32
      %dma_start3A_83 = arith.constant 0 : i32
      %dma_start3A_84 = tpu.memref_slice %arg3[%run_scoped3A, %arg1, %dma_start3A_82, %dma_start3A_83] : memref<2x16x160x125xi32, #tpu.memory_space<hbm>> -> memref<1x1x160x125xi32, #tpu.memory_space<hbm>>
      %dma_start3A_85 = tpu.memref_squeeze %dma_start3A_84 : memref<1x1x160x125xi32, #tpu.memory_space<hbm>> -> memref<160x125xi32, #tpu.memory_space<hbm>>
      tpu.enqueue_dma source(%dma_start3A_85 : memref<160x125xi32, #tpu.memory_space<hbm>>) target(%arg9 : memref<160x125xi32, #tpu.memory_space<vmem>>) target_semaphore(%run_scoped3A_77 : memref<!tpu.dma_semaphore, #tpu.memory_space<semaphore_mem>>)
      %dma_wait3A_86 = arith.constant 0 : i32
      %dma_wait3A_87 = arith.constant 0 : i32
      %dma_wait3A_88 = tpu.memref_slice %arg3[%run_scoped3A, %arg1, %dma_wait3A_86, %dma_wait3A_87] : memref<2x16x160x125xi32, #tpu.memory_space<hbm>> -> memref<1x1x160x125xi32, #tpu.memory_space<hbm>>
      %dma_wait3A_89 = tpu.memref_squeeze %dma_wait3A_88 : memref<1x1x160x125xi32, #tpu.memory_space<hbm>> -> memref<160x125xi32, #tpu.memory_space<hbm>>
      %dma_wait3A_90 = arith.constant 0 : i32
      %dma_wait3A_91 = arith.constant 0 : i32
      %dma_wait3A_92 = tpu.memref_slice %arg3[%run_scoped3A, %arg1, %dma_wait3A_90, %dma_wait3A_91] : memref<2x16x160x125xi32, #tpu.memory_space<hbm>> -> memref<1x1x160x125xi32, #tpu.memory_space<hbm>>
      %dma_wait3A_93 = tpu.memref_squeeze %dma_wait3A_92 : memref<1x1x160x125xi32, #tpu.memory_space<hbm>> -> memref<160x125xi32, #tpu.memory_space<hbm>>
      tpu.wait_dma2 semaphore(%run_scoped3A_77 : memref<!tpu.dma_semaphore, #tpu.memory_space<semaphore_mem>>) src(%dma_wait3A_93 : memref<160x125xi32, #tpu.memory_space<hbm>>) dst(%arg9 : memref<160x125xi32, #tpu.memory_space<vmem>>)
      tpu.yield
    }) : () -> ()
    %run_scoped3A_0 = arith.constant 1 : i32
    "tpu.region"() ({
      %run_scoped3A_77 = tpu.sem_alloc : memref<!tpu.dma_semaphore, #tpu.memory_space<semaphore_mem>>
      %dma_start3A_78 = arith.constant 0 : i32
      %dma_start3A_79 = arith.constant 0 : i32
      %dma_start3A_80 = tpu.memref_slice %arg3[%run_scoped3A_0, %arg1, %dma_start3A_78, %dma_start3A_79] : memref<2x16x160x125xi32, #tpu.memory_space<hbm>> -> memref<1x1x160x125xi32, #tpu.memory_space<hbm>>
      %dma_start3A_81 = tpu.memref_squeeze %dma_start3A_80 : memref<1x1x160x125xi32, #tpu.memory_space<hbm>> -> memref<160x125xi32, #tpu.memory_space<hbm>>
      %dma_start3A_82 = arith.constant 0 : i32
      %dma_start3A_83 = arith.constant 0 : i32
      %dma_start3A_84 = tpu.memref_slice %arg3[%run_scoped3A_0, %arg1, %dma_start3A_82, %dma_start3A_83] : memref<2x16x160x125xi32, #tpu.memory_space<hbm>> -> memref<1x1x160x125xi32, #tpu.memory_space<hbm>>
      %dma_start3A_85 = tpu.memref_squeeze %dma_start3A_84 : memref<1x1x160x125xi32, #tpu.memory_space<hbm>> -> memref<160x125xi32, #tpu.memory_space<hbm>>
      tpu.enqueue_dma source(%dma_start3A_85 : memref<160x125xi32, #tpu.memory_space<hbm>>) target(%arg10 : memref<160x125xi32, #tpu.memory_space<vmem>>) target_semaphore(%run_scoped3A_77 : memref<!tpu.dma_semaphore, #tpu.memory_space<semaphore_mem>>)
      %dma_wait3A_86 = arith.constant 0 : i32
      %dma_wait3A_87 = arith.constant 0 : i32
      %dma_wait3A_88 = tpu.memref_slice %arg3[%run_scoped3A_0, %arg1, %dma_wait3A_86, %dma_wait3A_87] : memref<2x16x160x125xi32, #tpu.memory_space<hbm>> -> memref<1x1x160x125xi32, #tpu.memory_space<hbm>>
      %dma_wait3A_89 = tpu.memref_squeeze %dma_wait3A_88 : memref<1x1x160x125xi32, #tpu.memory_space<hbm>> -> memref<160x125xi32, #tpu.memory_space<hbm>>
      %dma_wait3A_90 = arith.constant 0 : i32
      %dma_wait3A_91 = arith.constant 0 : i32
      %dma_wait3A_92 = tpu.memref_slice %arg3[%run_scoped3A_0, %arg1, %dma_wait3A_90, %dma_wait3A_91] : memref<2x16x160x125xi32, #tpu.memory_space<hbm>> -> memref<1x1x160x125xi32, #tpu.memory_space<hbm>>
      %dma_wait3A_93 = tpu.memref_squeeze %dma_wait3A_92 : memref<1x1x160x125xi32, #tpu.memory_space<hbm>> -> memref<160x125xi32, #tpu.memory_space<hbm>>
      tpu.wait_dma2 semaphore(%run_scoped3A_77 : memref<!tpu.dma_semaphore, #tpu.memory_space<semaphore_mem>>) src(%dma_wait3A_93 : memref<160x125xi32, #tpu.memory_space<hbm>>) dst(%arg10 : memref<160x125xi32, #tpu.memory_space<vmem>>)
      tpu.yield
    }) : () -> ()
    "tpu.region"() ({
      %run_scoped3A_77 = tpu.sem_alloc : memref<!tpu.dma_semaphore, #tpu.memory_space<semaphore_mem>>
      tpu.enqueue_dma source(%arg6 : memref<5x128xi32, #tpu.memory_space<hbm>>) target(%arg13 : memref<5x128xi32, #tpu.memory_space<vmem>>) target_semaphore(%run_scoped3A_77 : memref<!tpu.dma_semaphore, #tpu.memory_space<semaphore_mem>>)
      tpu.wait_dma2 semaphore(%run_scoped3A_77 : memref<!tpu.dma_semaphore, #tpu.memory_space<semaphore_mem>>) src(%arg6 : memref<5x128xi32, #tpu.memory_space<hbm>>) dst(%arg13 : memref<5x128xi32, #tpu.memory_space<vmem>>)
      tpu.yield
    }) : () -> ()
    %mul3A = arith.constant 640 : i32
    %mul3A_1 = arith.muli %arg1, %mul3A : i32
    "tpu.region"() ({
      %run_scoped3A_77 = tpu.sem_alloc : memref<!tpu.dma_semaphore, #tpu.memory_space<semaphore_mem>>
      %dma_start3A_78 = arith.constant 0 : i32
      %dma_start3A_79 = tpu.memref_slice %arg14[%mul3A_1, %dma_start3A_78] : memref<10240x64xf32, #tpu.memory_space<vmem_shared>> -> memref<640x64xf32, #tpu.memory_space<vmem_shared>>
      tpu.enqueue_dma source(%arg4 : memref<640x64xf32, #tpu.memory_space<hbm>>) target(%dma_start3A_79 : memref<640x64xf32, #tpu.memory_space<vmem_shared>>) target_semaphore(%run_scoped3A_77 : memref<!tpu.dma_semaphore, #tpu.memory_space<semaphore_mem>>)
      %dma_wait3A_80 = arith.constant 0 : i32
      %dma_wait3A_81 = tpu.memref_slice %arg14[%mul3A_1, %dma_wait3A_80] : memref<10240x64xf32, #tpu.memory_space<vmem_shared>> -> memref<640x64xf32, #tpu.memory_space<vmem_shared>>
      tpu.wait_dma2 semaphore(%run_scoped3A_77 : memref<!tpu.dma_semaphore, #tpu.memory_space<semaphore_mem>>) src(%arg4 : memref<640x64xf32, #tpu.memory_space<hbm>>) dst(%dma_wait3A_81 : memref<640x64xf32, #tpu.memory_space<vmem_shared>>)
      tpu.yield
    }) : () -> ()
    "tpu.region"() ({
      %run_scoped3A_77 = tpu.sem_alloc : memref<!tpu.dma_semaphore, #tpu.memory_space<semaphore_mem>>
      tpu.enqueue_dma source(%arg5 : memref<640x16xf32, #tpu.memory_space<hbm>>) target(%arg12 : memref<640x16xf32, #tpu.memory_space<vmem>>) target_semaphore(%run_scoped3A_77 : memref<!tpu.dma_semaphore, #tpu.memory_space<semaphore_mem>>)
      tpu.wait_dma2 semaphore(%run_scoped3A_77 : memref<!tpu.dma_semaphore, #tpu.memory_space<semaphore_mem>>) src(%arg5 : memref<640x16xf32, #tpu.memory_space<hbm>>) dst(%arg12 : memref<640x16xf32, #tpu.memory_space<vmem>>)
      tpu.yield
    }) : () -> ()
    %mul3A_2 = arith.constant 40 : i32
    %mul3A_3 = arith.muli %arg1, %mul3A_2 : i32
    "tpu.region"() ({
      %run_scoped3A_77 = tpu.sem_alloc : memref<!tpu.dma_semaphore, #tpu.memory_space<semaphore_mem>>
      %dma_start3A_78 = arith.constant 0 : i32
      %dma_start3A_79 = tpu.memref_slice %arg15[%mul3A_3, %dma_start3A_78] : memref<640x16xf32, #tpu.memory_space<vmem_shared>> -> memref<40x16xf32, #tpu.memory_space<vmem_shared>>
      %dma_start3A_80 = arith.constant 0 : i32
      %dma_start3A_81 = arith.constant 0 : i32
      %dma_start3A_82 = tpu.memref_slice %arg5[%dma_start3A_80, %dma_start3A_81] : memref<640x16xf32, #tpu.memory_space<hbm>> -> memref<40x16xf32, #tpu.memory_space<hbm>>
      tpu.enqueue_dma source(%dma_start3A_82 : memref<40x16xf32, #tpu.memory_space<hbm>>) target(%dma_start3A_79 : memref<40x16xf32, #tpu.memory_space<vmem_shared>>) target_semaphore(%run_scoped3A_77 : memref<!tpu.dma_semaphore, #tpu.memory_space<semaphore_mem>>)
      %dma_wait3A_83 = arith.constant 0 : i32
      %dma_wait3A_84 = tpu.memref_slice %arg15[%mul3A_3, %dma_wait3A_83] : memref<640x16xf32, #tpu.memory_space<vmem_shared>> -> memref<40x16xf32, #tpu.memory_space<vmem_shared>>
      %dma_wait3A_85 = arith.constant 0 : i32
      %dma_wait3A_86 = arith.constant 0 : i32
      %dma_wait3A_87 = tpu.memref_slice %arg5[%dma_wait3A_85, %dma_wait3A_86] : memref<640x16xf32, #tpu.memory_space<hbm>> -> memref<40x16xf32, #tpu.memory_space<hbm>>
      tpu.wait_dma2 semaphore(%run_scoped3A_77 : memref<!tpu.dma_semaphore, #tpu.memory_space<semaphore_mem>>) src(%dma_wait3A_87 : memref<40x16xf32, #tpu.memory_space<hbm>>) dst(%dma_wait3A_84 : memref<40x16xf32, #tpu.memory_space<vmem_shared>>)
      tpu.yield
    }) : () -> ()
    %barrier3A = arith.constant 0 : index
    tpu.barrier barrier_id(%barrier3A)
    %broadcast_in_dim3A = arith.constant 1.000000e+00 : f32
    %broadcast_in_dim3A_4 = vector.broadcast %broadcast_in_dim3A : f32 to vector<16xf32>
    %iota3A = tpu.iota {dimensions = array<i32: 0>} : vector<16xi32>
    %ge3A = arith.constant 3 : i32
    %ge3A_5 = vector.broadcast %ge3A : i32 to vector<16xi32>
    %ge3A_6 = arith.cmpi sge, %iota3A, %ge3A_5 : vector<16xi32>
    %dma_start3A = arith.constant 0 : i32
    %dma_start3A_7 = arith.constant 0 : i32
    %dma_start3A_8 = arith.constant 0 : i32
    %dma_start3A_9 = arith.constant 0 : i32
    %dma_start3A_10 = tpu.memref_slice %arg11[%dma_start3A_7, %dma_start3A_8, %dma_start3A_9] : memref<4x125x64xf32, #tpu.memory_space<vmem>> -> memref<1x125x64xf32, #tpu.memory_space<vmem>>
    %dma_start3A_11 = tpu.memref_squeeze %dma_start3A_10 : memref<1x125x64xf32, #tpu.memory_space<vmem>> -> memref<125x64xf32, #tpu.memory_space<vmem>>
    %dma_start3A_12 = arith.constant 0 : i32
    %dma_start3A_13 = tpu.memref_slice %arg9[%dma_start3A, %dma_start3A_12] : memref<160x125xi32, #tpu.memory_space<vmem>> -> memref<1x125xi32, #tpu.memory_space<vmem>>
    %dma_start3A_14 = tpu.memref_squeeze %dma_start3A_13 : memref<1x125xi32, #tpu.memory_space<vmem>> -> memref<125xi32, #tpu.memory_space<vmem>>
    %dma_start3A_15 = arith.constant 0 : i32
    %dma_start3A_16 = tpu.memref_slice %arg2[%arg0, %dma_start3A_15] : memref<20000x64xf32, #tpu.memory_space<hbm>> -> memref<19999x64xf32, #tpu.memory_space<hbm>>
    %dma_start3A_17 = arith.constant 0 : i32
    %dma_start3A_18 = arith.constant 0 : i32
    %dma_start3A_19 = tpu.memref_slice %dma_start3A_16[%dma_start3A_17, %dma_start3A_18] : memref<19999x64xf32, #tpu.memory_space<hbm>> -> memref<19999x64xf32, #tpu.memory_space<hbm>>
    tpu.enqueue_indirect_dma source(%dma_start3A_19 : memref<19999x64xf32, #tpu.memory_space<hbm>>) target(%dma_start3A_11 : memref<125x64xf32, #tpu.memory_space<vmem>>) offsets(%dma_start3A_14 : memref<125xi32, #tpu.memory_space<vmem>>) semaphore(%arg16 : memref<!tpu.dma_semaphore, #tpu.memory_space<semaphore_mem>>)
    %dma_start3A_20 = arith.constant 1 : i32
    %dma_start3A_21 = arith.constant 1 : i32
    %dma_start3A_22 = arith.constant 0 : i32
    %dma_start3A_23 = arith.constant 0 : i32
    %dma_start3A_24 = tpu.memref_slice %arg11[%dma_start3A_21, %dma_start3A_22, %dma_start3A_23] : memref<4x125x64xf32, #tpu.memory_space<vmem>> -> memref<1x125x64xf32, #tpu.memory_space<vmem>>
    %dma_start3A_25 = tpu.memref_squeeze %dma_start3A_24 : memref<1x125x64xf32, #tpu.memory_space<vmem>> -> memref<125x64xf32, #tpu.memory_space<vmem>>
    %dma_start3A_26 = arith.constant 0 : i32
    %dma_start3A_27 = tpu.memref_slice %arg9[%dma_start3A_20, %dma_start3A_26] : memref<160x125xi32, #tpu.memory_space<vmem>> -> memref<1x125xi32, #tpu.memory_space<vmem>>
    %dma_start3A_28 = tpu.memref_squeeze %dma_start3A_27 : memref<1x125xi32, #tpu.memory_space<vmem>> -> memref<125xi32, #tpu.memory_space<vmem>>
    %dma_start3A_29 = arith.constant 0 : i32
    %dma_start3A_30 = tpu.memref_slice %arg2[%arg0, %dma_start3A_29] : memref<20000x64xf32, #tpu.memory_space<hbm>> -> memref<19999x64xf32, #tpu.memory_space<hbm>>
    %dma_start3A_31 = arith.constant 0 : i32
    %dma_start3A_32 = arith.constant 0 : i32
    %dma_start3A_33 = tpu.memref_slice %dma_start3A_30[%dma_start3A_31, %dma_start3A_32] : memref<19999x64xf32, #tpu.memory_space<hbm>> -> memref<19999x64xf32, #tpu.memory_space<hbm>>
    tpu.enqueue_indirect_dma source(%dma_start3A_33 : memref<19999x64xf32, #tpu.memory_space<hbm>>) target(%dma_start3A_25 : memref<125x64xf32, #tpu.memory_space<vmem>>) offsets(%dma_start3A_28 : memref<125xi32, #tpu.memory_space<vmem>>) semaphore(%arg17 : memref<!tpu.dma_semaphore, #tpu.memory_space<semaphore_mem>>)
    %dma_start3A_34 = arith.constant 2 : i32
    %dma_start3A_35 = arith.constant 2 : i32
    %dma_start3A_36 = arith.constant 0 : i32
    %dma_start3A_37 = arith.constant 0 : i32
    %dma_start3A_38 = tpu.memref_slice %arg11[%dma_start3A_35, %dma_start3A_36, %dma_start3A_37] : memref<4x125x64xf32, #tpu.memory_space<vmem>> -> memref<1x125x64xf32, #tpu.memory_space<vmem>>
    %dma_start3A_39 = tpu.memref_squeeze %dma_start3A_38 : memref<1x125x64xf32, #tpu.memory_space<vmem>> -> memref<125x64xf32, #tpu.memory_space<vmem>>
    %dma_start3A_40 = arith.constant 0 : i32
    %dma_start3A_41 = tpu.memref_slice %arg9[%dma_start3A_34, %dma_start3A_40] : memref<160x125xi32, #tpu.memory_space<vmem>> -> memref<1x125xi32, #tpu.memory_space<vmem>>
    %dma_start3A_42 = tpu.memref_squeeze %dma_start3A_41 : memref<1x125xi32, #tpu.memory_space<vmem>> -> memref<125xi32, #tpu.memory_space<vmem>>
    %dma_start3A_43 = arith.constant 0 : i32
    %dma_start3A_44 = tpu.memref_slice %arg2[%arg0, %dma_start3A_43] : memref<20000x64xf32, #tpu.memory_space<hbm>> -> memref<19999x64xf32, #tpu.memory_space<hbm>>
    %dma_start3A_45 = arith.constant 0 : i32
    %dma_start3A_46 = arith.constant 0 : i32
    %dma_start3A_47 = tpu.memref_slice %dma_start3A_44[%dma_start3A_45, %dma_start3A_46] : memref<19999x64xf32, #tpu.memory_space<hbm>> -> memref<19999x64xf32, #tpu.memory_space<hbm>>
    tpu.enqueue_indirect_dma source(%dma_start3A_47 : memref<19999x64xf32, #tpu.memory_space<hbm>>) target(%dma_start3A_39 : memref<125x64xf32, #tpu.memory_space<vmem>>) offsets(%dma_start3A_42 : memref<125xi32, #tpu.memory_space<vmem>>) semaphore(%arg18 : memref<!tpu.dma_semaphore, #tpu.memory_space<semaphore_mem>>)
    %scan3A = arith.constant 0 : i32
    %scan3A_48 = arith.constant 0 : i32
    %scan3A_49 = arith.constant 40 : i32
    %scan3A_50 = arith.addi %scan3A_48, %scan3A_49 : i32
    %scan3A_51 = arith.constant 1 : i32
    %scan3A_52 = scf.for %scan3A_77 = %scan3A_48 to %scan3A_50 step %scan3A_51 iter_args(%scan3A_78 = %scan3A) -> (i32)  : i32 {
      %mul3A_79 = arith.constant 4 : i32
      %mul3A_80 = arith.muli %mul3A_79, %scan3A_77 : i32
      %add3A = arith.constant 0 : i32
      %add3A_81 = arith.addi %mul3A_80, %add3A : i32
      %dma_wait3A_82 = arith.constant 0 : i32
      %dma_wait3A_83 = arith.constant 0 : i32
      %dma_wait3A_84 = arith.constant 0 : i32
      %dma_wait3A_85 = tpu.memref_slice %arg11[%dma_wait3A_82, %dma_wait3A_83, %dma_wait3A_84] : memref<4x125x64xf32, #tpu.memory_space<vmem>> -> memref<1x125x64xf32, #tpu.memory_space<vmem>>
      %dma_wait3A_86 = tpu.memref_squeeze %dma_wait3A_85 : memref<1x125x64xf32, #tpu.memory_space<vmem>> -> memref<125x64xf32, #tpu.memory_space<vmem>>
      %dma_wait3A_87 = arith.constant 0 : i32
      %dma_wait3A_88 = tpu.memref_slice %arg9[%add3A_81, %dma_wait3A_87] : memref<160x125xi32, #tpu.memory_space<vmem>> -> memref<1x125xi32, #tpu.memory_space<vmem>>
      %dma_wait3A_89 = tpu.memref_squeeze %dma_wait3A_88 : memref<1x125xi32, #tpu.memory_space<vmem>> -> memref<125xi32, #tpu.memory_space<vmem>>
      %dma_wait3A_90 = arith.constant 0 : i32
      %dma_wait3A_91 = tpu.memref_slice %arg2[%arg0, %dma_wait3A_90] : memref<20000x64xf32, #tpu.memory_space<hbm>> -> memref<19999x64xf32, #tpu.memory_space<hbm>>
      %dma_wait3A_92 = arith.constant 0 : i32
      %dma_wait3A_93 = arith.constant 0 : i32
      %dma_wait3A_94 = tpu.memref_slice %dma_wait3A_91[%dma_wait3A_92, %dma_wait3A_93] : memref<19999x64xf32, #tpu.memory_space<hbm>> -> memref<19999x64xf32, #tpu.memory_space<hbm>>
      tpu.wait_indirect_dma semaphore(%arg16 : memref<!tpu.dma_semaphore, #tpu.memory_space<semaphore_mem>>) src(%dma_wait3A_94 : memref<19999x64xf32, #tpu.memory_space<hbm>>) dst(%dma_wait3A_86 : memref<125x64xf32, #tpu.memory_space<vmem>>)
      %dma_start3A_95 = arith.constant 0 : i32
      %dma_start3A_96 = arith.constant 0 : i32
      %dma_start3A_97 = arith.constant 0 : i32
      %dma_start3A_98 = tpu.memref_slice %arg11[%dma_start3A_95, %dma_start3A_96, %dma_start3A_97] : memref<4x125x64xf32, #tpu.memory_space<vmem>> -> memref<1x125x64xf32, #tpu.memory_space<vmem>>
      %dma_start3A_99 = tpu.memref_squeeze %dma_start3A_98 : memref<1x125x64xf32, #tpu.memory_space<vmem>> -> memref<125x64xf32, #tpu.memory_space<vmem>>
      %dma_start3A_100 = arith.constant 0 : i32
      %dma_start3A_101 = tpu.memref_slice %arg10[%add3A_81, %dma_start3A_100] : memref<160x125xi32, #tpu.memory_space<vmem>> -> memref<1x125xi32, #tpu.memory_space<vmem>>
      %dma_start3A_102 = tpu.memref_squeeze %dma_start3A_101 : memref<1x125xi32, #tpu.memory_space<vmem>> -> memref<125xi32, #tpu.memory_space<vmem>>
      %dma_start3A_103 = arith.constant 0 : i32
      %dma_start3A_104 = arith.constant 0 : i32
      %dma_start3A_105 = tpu.memref_slice %arg14[%dma_start3A_103, %dma_start3A_104] : memref<10240x64xf32, #tpu.memory_space<vmem_shared>> -> memref<10240x64xf32, #tpu.memory_space<vmem_shared>>
      tpu.enqueue_indirect_dma source(%dma_start3A_99 : memref<125x64xf32, #tpu.memory_space<vmem>>) target(%dma_start3A_105 : memref<10240x64xf32, #tpu.memory_space<vmem_shared>>) offsets(%dma_start3A_102 : memref<125xi32, #tpu.memory_space<vmem>>) semaphore(%arg20 : memref<!tpu.dma_semaphore, #tpu.memory_space<semaphore_mem>>) {add = true}
      %get3A = arith.index_cast %add3A_81 : i32 to index
      %get3A_106 = arith.constant 0 : index
      %get3A_107 = tpu.vector_load %arg10[%get3A, %get3A_106] {strides = array<i32>} : memref<160x125xi32, #tpu.memory_space<vmem>>, vector<16xi32>,
      %shift_right_arithmetic3A = arith.constant 4 : i32
      %shift_right_arithmetic3A_108 = vector.broadcast %shift_right_arithmetic3A : i32 to vector<16xi32>
      %shift_right_arithmetic3A_109 = arith.shrsi %get3A_107, %shift_right_arithmetic3A_108 : vector<16xi32>
      %and3A_110 = arith.constant 15 : i32
      %and3A_111 = vector.broadcast %and3A_110 : i32 to vector<16xi32>
      %and3A_112 = arith.andi %get3A_107, %and3A_111 : vector<16xi32>
      tpu.vector_store_idx %arg12[%shift_right_arithmetic3A_109, %and3A_112], %broadcast_in_dim3A_4 {add = true} : memref<640x16xf32, #tpu.memory_space<vmem>>[vector<16xi32>, vector<16xi32>], vector<16xf32>,
      %get3A_113 = arith.index_cast %add3A_81 : i32 to index
      %get3A_114 = arith.constant 16 : index
      %get3A_115 = tpu.vector_load %arg10[%get3A_113, %get3A_114] {strides = array<i32>} : memref<160x125xi32, #tpu.memory_space<vmem>>, vector<16xi32>,
      %shift_right_arithmetic3A_116 = arith.constant 4 : i32
      %shift_right_arithmetic3A_117 = vector.broadcast %shift_right_arithmetic3A_116 : i32 to vector<16xi32>
      %shift_right_arithmetic3A_118 = arith.shrsi %get3A_115, %shift_right_arithmetic3A_117 : vector<16xi32>
      %and3A_119 = arith.constant 15 : i32
      %and3A_120 = vector.broadcast %and3A_119 : i32 to vector<16xi32>
      %and3A_121 = arith.andi %get3A_115, %and3A_120 : vector<16xi32>
      tpu.vector_store_idx %arg12[%shift_right_arithmetic3A_118, %and3A_121], %broadcast_in_dim3A_4 {add = true} : memref<640x16xf32, #tpu.memory_space<vmem>>[vector<16xi32>, vector<16xi32>], vector<16xf32>,
      %get3A_122 = arith.index_cast %add3A_81 : i32 to index
      %get3A_123 = arith.constant 32 : index
      %get3A_124 = tpu.vector_load %arg10[%get3A_122, %get3A_123] {strides = array<i32>} : memref<160x125xi32, #tpu.memory_space<vmem>>, vector<16xi32>,
      %shift_right_arithmetic3A_125 = arith.constant 4 : i32
      %shift_right_arithmetic3A_126 = vector.broadcast %shift_right_arithmetic3A_125 : i32 to vector<16xi32>
      %shift_right_arithmetic3A_127 = arith.shrsi %get3A_124, %shift_right_arithmetic3A_126 : vector<16xi32>
      %and3A_128 = arith.constant 15 : i32
      %and3A_129 = vector.broadcast %and3A_128 : i32 to vector<16xi32>
      %and3A_130 = arith.andi %get3A_124, %and3A_129 : vector<16xi32>
      tpu.vector_store_idx %arg12[%shift_right_arithmetic3A_127, %and3A_130], %broadcast_in_dim3A_4 {add = true} : memref<640x16xf32, #tpu.memory_space<vmem>>[vector<16xi32>, vector<16xi32>], vector<16xf32>,
      %get3A_131 = arith.index_cast %add3A_81 : i32 to index
      %get3A_132 = arith.constant 48 : index
      %get3A_133 = tpu.vector_load %arg10[%get3A_131, %get3A_132] {strides = array<i32>} : memref<160x125xi32, #tpu.memory_space<vmem>>, vector<16xi32>,
      %shift_right_arithmetic3A_134 = arith.constant 4 : i32
      %shift_right_arithmetic3A_135 = vector.broadcast %shift_right_arithmetic3A_134 : i32 to vector<16xi32>
      %shift_right_arithmetic3A_136 = arith.shrsi %get3A_133, %shift_right_arithmetic3A_135 : vector<16xi32>
      %and3A_137 = arith.constant 15 : i32
      %and3A_138 = vector.broadcast %and3A_137 : i32 to vector<16xi32>
      %and3A_139 = arith.andi %get3A_133, %and3A_138 : vector<16xi32>
      tpu.vector_store_idx %arg12[%shift_right_arithmetic3A_136, %and3A_139], %broadcast_in_dim3A_4 {add = true} : memref<640x16xf32, #tpu.memory_space<vmem>>[vector<16xi32>, vector<16xi32>], vector<16xf32>,
      %get3A_140 = arith.index_cast %add3A_81 : i32 to index
      %get3A_141 = arith.constant 64 : index
      %get3A_142 = tpu.vector_load %arg10[%get3A_140, %get3A_141] {strides = array<i32>} : memref<160x125xi32, #tpu.memory_space<vmem>>, vector<16xi32>,
      %shift_right_arithmetic3A_143 = arith.constant 4 : i32
      %shift_right_arithmetic3A_144 = vector.broadcast %shift_right_arithmetic3A_143 : i32 to vector<16xi32>
      %shift_right_arithmetic3A_145 = arith.shrsi %get3A_142, %shift_right_arithmetic3A_144 : vector<16xi32>
      %and3A_146 = arith.constant 15 : i32
      %and3A_147 = vector.broadcast %and3A_146 : i32 to vector<16xi32>
      %and3A_148 = arith.andi %get3A_142, %and3A_147 : vector<16xi32>
      tpu.vector_store_idx %arg12[%shift_right_arithmetic3A_145, %and3A_148], %broadcast_in_dim3A_4 {add = true} : memref<640x16xf32, #tpu.memory_space<vmem>>[vector<16xi32>, vector<16xi32>], vector<16xf32>,
      %get3A_149 = arith.index_cast %add3A_81 : i32 to index
      %get3A_150 = arith.constant 80 : index
      %get3A_151 = tpu.vector_load %arg10[%get3A_149, %get3A_150] {strides = array<i32>} : memref<160x125xi32, #tpu.memory_space<vmem>>, vector<16xi32>,
      %shift_right_arithmetic3A_152 = arith.constant 4 : i32
      %shift_right_arithmetic3A_153 = vector.broadcast %shift_right_arithmetic3A_152 : i32 to vector<16xi32>
      %shift_right_arithmetic3A_154 = arith.shrsi %get3A_151, %shift_right_arithmetic3A_153 : vector<16xi32>
      %and3A_155 = arith.constant 15 : i32
      %and3A_156 = vector.broadcast %and3A_155 : i32 to vector<16xi32>
      %and3A_157 = arith.andi %get3A_151, %and3A_156 : vector<16xi32>
      tpu.vector_store_idx %arg12[%shift_right_arithmetic3A_154, %and3A_157], %broadcast_in_dim3A_4 {add = true} : memref<640x16xf32, #tpu.memory_space<vmem>>[vector<16xi32>, vector<16xi32>], vector<16xf32>,
      %get3A_158 = arith.index_cast %add3A_81 : i32 to index
      %get3A_159 = arith.constant 96 : index
      %get3A_160 = tpu.vector_load %arg10[%get3A_158, %get3A_159] {strides = array<i32>} : memref<160x125xi32, #tpu.memory_space<vmem>>, vector<16xi32>,
      %shift_right_arithmetic3A_161 = arith.constant 4 : i32
      %shift_right_arithmetic3A_162 = vector.broadcast %shift_right_arithmetic3A_161 : i32 to vector<16xi32>
      %shift_right_arithmetic3A_163 = arith.shrsi %get3A_160, %shift_right_arithmetic3A_162 : vector<16xi32>
      %and3A_164 = arith.constant 15 : i32
      %and3A_165 = vector.broadcast %and3A_164 : i32 to vector<16xi32>
      %and3A_166 = arith.andi %get3A_160, %and3A_165 : vector<16xi32>
      tpu.vector_store_idx %arg12[%shift_right_arithmetic3A_163, %and3A_166], %broadcast_in_dim3A_4 {add = true} : memref<640x16xf32, #tpu.memory_space<vmem>>[vector<16xi32>, vector<16xi32>], vector<16xf32>,
      %get3A_167 = arith.index_cast %add3A_81 : i32 to index
      %get3A_168 = arith.constant 109 : index
      %get3A_169 = tpu.vector_load %arg10[%get3A_167, %get3A_168] {strides = array<i32>} : memref<160x125xi32, #tpu.memory_space<vmem>>, vector<16xi32>,
      %shift_right_arithmetic3A_170 = arith.constant 4 : i32
      %shift_right_arithmetic3A_171 = vector.broadcast %shift_right_arithmetic3A_170 : i32 to vector<16xi32>
      %shift_right_arithmetic3A_172 = arith.shrsi %get3A_169, %shift_right_arithmetic3A_171 : vector<16xi32>
      %and3A_173 = arith.constant 15 : i32
      %and3A_174 = vector.broadcast %and3A_173 : i32 to vector<16xi32>
      %and3A_175 = arith.andi %get3A_169, %and3A_174 : vector<16xi32>
      tpu.vector_store_idx %arg12[%shift_right_arithmetic3A_172, %and3A_175], %broadcast_in_dim3A_4 masked %ge3A_6 {add = true} : memref<640x16xf32, #tpu.memory_space<vmem>>[vector<16xi32>, vector<16xi32>], vector<16xf32>, vector<16xi1>
      %ge3A_176 = arith.constant 1 : i32
      %ge3A_177 = arith.cmpi sge, %add3A_81, %ge3A_176 : i32
      %convert_element_type3A_178 = arith.extui %ge3A_177 : i1 to i32
      %cond3A_179 = arith.constant 0 : i32
      %cond3A_180 = arith.cmpi ne, %convert_element_type3A_178, %cond3A_179 : i32
      scf.if %cond3A_180 {
        %sub3A = arith.constant 1 : i32
        %sub3A_524 = arith.subi %add3A_81, %sub3A : i32
        %dma_wait3A_525 = arith.constant 0 : i32
        %dma_wait3A_526 = arith.constant 0 : i32
        %dma_wait3A_527 = arith.constant 0 : i32
        %dma_wait3A_528 = tpu.memref_slice %arg11[%dma_wait3A_525, %dma_wait3A_526, %dma_wait3A_527] : memref<4x125x64xf32, #tpu.memory_space<vmem>> -> memref<1x125x64xf32, #tpu.memory_space<vmem>>
        %dma_wait3A_529 = tpu.memref_squeeze %dma_wait3A_528 : memref<1x125x64xf32, #tpu.memory_space<vmem>> -> memref<125x64xf32, #tpu.memory_space<vmem>>
        %dma_wait3A_530 = arith.constant 0 : i32
        %dma_wait3A_531 = tpu.memref_slice %arg10[%sub3A_524, %dma_wait3A_530] : memref<160x125xi32, #tpu.memory_space<vmem>> -> memref<1x125xi32, #tpu.memory_space<vmem>>
        %dma_wait3A_532 = tpu.memref_squeeze %dma_wait3A_531 : memref<1x125xi32, #tpu.memory_space<vmem>> -> memref<125xi32, #tpu.memory_space<vmem>>
        %dma_wait3A_533 = arith.constant 0 : i32
        %dma_wait3A_534 = arith.constant 0 : i32
        %dma_wait3A_535 = tpu.memref_slice %arg14[%dma_wait3A_533, %dma_wait3A_534] : memref<10240x64xf32, #tpu.memory_space<vmem_shared>> -> memref<10240x64xf32, #tpu.memory_space<vmem_shared>>
        tpu.wait_indirect_dma semaphore(%arg20 : memref<!tpu.dma_semaphore, #tpu.memory_space<semaphore_mem>>) src(%dma_wait3A_529 : memref<125x64xf32, #tpu.memory_space<vmem>>) dst(%dma_wait3A_535 : memref<10240x64xf32, #tpu.memory_space<vmem_shared>>)
      } else {
      }
      %add3A_181 = arith.constant 3 : i32
      %add3A_182 = arith.addi %add3A_81, %add3A_181 : i32
      %lt3A = arith.constant 160 : i32
      %lt3A_183 = arith.cmpi slt, %add3A_182, %lt3A : i32
      %convert_element_type3A_184 = arith.extui %lt3A_183 : i1 to i32
      %cond3A_185 = arith.constant 0 : i32
      %cond3A_186 = arith.cmpi ne, %convert_element_type3A_184, %cond3A_185 : i32
      scf.if %cond3A_186 {
        %add3A_524 = arith.constant 3 : i32
        %add3A_525 = arith.addi %add3A_81, %add3A_524 : i32
        %dma_start3A_526 = arith.constant 3 : i32
        %dma_start3A_527 = arith.constant 0 : i32
        %dma_start3A_528 = arith.constant 0 : i32
        %dma_start3A_529 = tpu.memref_slice %arg11[%dma_start3A_526, %dma_start3A_527, %dma_start3A_528] : memref<4x125x64xf32, #tpu.memory_space<vmem>> -> memref<1x125x64xf32, #tpu.memory_space<vmem>>
        %dma_start3A_530 = tpu.memref_squeeze %dma_start3A_529 : memref<1x125x64xf32, #tpu.memory_space<vmem>> -> memref<125x64xf32, #tpu.memory_space<vmem>>
        %dma_start3A_531 = arith.constant 0 : i32
        %dma_start3A_532 = tpu.memref_slice %arg9[%add3A_525, %dma_start3A_531] : memref<160x125xi32, #tpu.memory_space<vmem>> -> memref<1x125xi32, #tpu.memory_space<vmem>>
        %dma_start3A_533 = tpu.memref_squeeze %dma_start3A_532 : memref<1x125xi32, #tpu.memory_space<vmem>> -> memref<125xi32, #tpu.memory_space<vmem>>
        %dma_start3A_534 = arith.constant 0 : i32
        %dma_start3A_535 = tpu.memref_slice %arg2[%arg0, %dma_start3A_534] : memref<20000x64xf32, #tpu.memory_space<hbm>> -> memref<19999x64xf32, #tpu.memory_space<hbm>>
        %dma_start3A_536 = arith.constant 0 : i32
        %dma_start3A_537 = arith.constant 0 : i32
        %dma_start3A_538 = tpu.memref_slice %dma_start3A_535[%dma_start3A_536, %dma_start3A_537] : memref<19999x64xf32, #tpu.memory_space<hbm>> -> memref<19999x64xf32, #tpu.memory_space<hbm>>
        tpu.enqueue_indirect_dma source(%dma_start3A_538 : memref<19999x64xf32, #tpu.memory_space<hbm>>) target(%dma_start3A_530 : memref<125x64xf32, #tpu.memory_space<vmem>>) offsets(%dma_start3A_533 : memref<125xi32, #tpu.memory_space<vmem>>) semaphore(%arg19 : memref<!tpu.dma_semaphore, #tpu.memory_space<semaphore_mem>>)
      } else {
      }
      %mul3A_187 = arith.constant 4 : i32
      %mul3A_188 = arith.muli %mul3A_187, %scan3A_77 : i32
      %add3A_189 = arith.constant 1 : i32
      %add3A_190 = arith.addi %mul3A_188, %add3A_189 : i32
      %dma_wait3A_191 = arith.constant 1 : i32
      %dma_wait3A_192 = arith.constant 0 : i32
      %dma_wait3A_193 = arith.constant 0 : i32
      %dma_wait3A_194 = tpu.memref_slice %arg11[%dma_wait3A_191, %dma_wait3A_192, %dma_wait3A_193] : memref<4x125x64xf32, #tpu.memory_space<vmem>> -> memref<1x125x64xf32, #tpu.memory_space<vmem>>
      %dma_wait3A_195 = tpu.memref_squeeze %dma_wait3A_194 : memref<1x125x64xf32, #tpu.memory_space<vmem>> -> memref<125x64xf32, #tpu.memory_space<vmem>>
      %dma_wait3A_196 = arith.constant 0 : i32
      %dma_wait3A_197 = tpu.memref_slice %arg9[%add3A_190, %dma_wait3A_196] : memref<160x125xi32, #tpu.memory_space<vmem>> -> memref<1x125xi32, #tpu.memory_space<vmem>>
      %dma_wait3A_198 = tpu.memref_squeeze %dma_wait3A_197 : memref<1x125xi32, #tpu.memory_space<vmem>> -> memref<125xi32, #tpu.memory_space<vmem>>
      %dma_wait3A_199 = arith.constant 0 : i32
      %dma_wait3A_200 = tpu.memref_slice %arg2[%arg0, %dma_wait3A_199] : memref<20000x64xf32, #tpu.memory_space<hbm>> -> memref<19999x64xf32, #tpu.memory_space<hbm>>
      %dma_wait3A_201 = arith.constant 0 : i32
      %dma_wait3A_202 = arith.constant 0 : i32
      %dma_wait3A_203 = tpu.memref_slice %dma_wait3A_200[%dma_wait3A_201, %dma_wait3A_202] : memref<19999x64xf32, #tpu.memory_space<hbm>> -> memref<19999x64xf32, #tpu.memory_space<hbm>>
      tpu.wait_indirect_dma semaphore(%arg17 : memref<!tpu.dma_semaphore, #tpu.memory_space<semaphore_mem>>) src(%dma_wait3A_203 : memref<19999x64xf32, #tpu.memory_space<hbm>>) dst(%dma_wait3A_195 : memref<125x64xf32, #tpu.memory_space<vmem>>)
      %dma_start3A_204 = arith.constant 1 : i32
      %dma_start3A_205 = arith.constant 0 : i32
      %dma_start3A_206 = arith.constant 0 : i32
      %dma_start3A_207 = tpu.memref_slice %arg11[%dma_start3A_204, %dma_start3A_205, %dma_start3A_206] : memref<4x125x64xf32, #tpu.memory_space<vmem>> -> memref<1x125x64xf32, #tpu.memory_space<vmem>>
      %dma_start3A_208 = tpu.memref_squeeze %dma_start3A_207 : memref<1x125x64xf32, #tpu.memory_space<vmem>> -> memref<125x64xf32, #tpu.memory_space<vmem>>
      %dma_start3A_209 = arith.constant 0 : i32
      %dma_start3A_210 = tpu.memref_slice %arg10[%add3A_190, %dma_start3A_209] : memref<160x125xi32, #tpu.memory_space<vmem>> -> memref<1x125xi32, #tpu.memory_space<vmem>>
      %dma_start3A_211 = tpu.memref_squeeze %dma_start3A_210 : memref<1x125xi32, #tpu.memory_space<vmem>> -> memref<125xi32, #tpu.memory_space<vmem>>
      %dma_start3A_212 = arith.constant 0 : i32
      %dma_start3A_213 = arith.constant 0 : i32
      %dma_start3A_214 = tpu.memref_slice %arg14[%dma_start3A_212, %dma_start3A_213] : memref<10240x64xf32, #tpu.memory_space<vmem_shared>> -> memref<10240x64xf32, #tpu.memory_space<vmem_shared>>
      tpu.enqueue_indirect_dma source(%dma_start3A_208 : memref<125x64xf32, #tpu.memory_space<vmem>>) target(%dma_start3A_214 : memref<10240x64xf32, #tpu.memory_space<vmem_shared>>) offsets(%dma_start3A_211 : memref<125xi32, #tpu.memory_space<vmem>>) semaphore(%arg20 : memref<!tpu.dma_semaphore, #tpu.memory_space<semaphore_mem>>) {add = true}
      %get3A_215 = arith.index_cast %add3A_190 : i32 to index
      %get3A_216 = arith.constant 0 : index
      %get3A_217 = tpu.vector_load %arg10[%get3A_215, %get3A_216] {strides = array<i32>} : memref<160x125xi32, #tpu.memory_space<vmem>>, vector<16xi32>,
      %shift_right_arithmetic3A_218 = arith.constant 4 : i32
      %shift_right_arithmetic3A_219 = vector.broadcast %shift_right_arithmetic3A_218 : i32 to vector<16xi32>
      %shift_right_arithmetic3A_220 = arith.shrsi %get3A_217, %shift_right_arithmetic3A_219 : vector<16xi32>
      %and3A_221 = arith.constant 15 : i32
      %and3A_222 = vector.broadcast %and3A_221 : i32 to vector<16xi32>
      %and3A_223 = arith.andi %get3A_217, %and3A_222 : vector<16xi32>
      tpu.vector_store_idx %arg12[%shift_right_arithmetic3A_220, %and3A_223], %broadcast_in_dim3A_4 {add = true} : memref<640x16xf32, #tpu.memory_space<vmem>>[vector<16xi32>, vector<16xi32>], vector<16xf32>,
      %get3A_224 = arith.index_cast %add3A_190 : i32 to index
      %get3A_225 = arith.constant 16 : index
      %get3A_226 = tpu.vector_load %arg10[%get3A_224, %get3A_225] {strides = array<i32>} : memref<160x125xi32, #tpu.memory_space<vmem>>, vector<16xi32>,
      %shift_right_arithmetic3A_227 = arith.constant 4 : i32
      %shift_right_arithmetic3A_228 = vector.broadcast %shift_right_arithmetic3A_227 : i32 to vector<16xi32>
      %shift_right_arithmetic3A_229 = arith.shrsi %get3A_226, %shift_right_arithmetic3A_228 : vector<16xi32>
      %and3A_230 = arith.constant 15 : i32
      %and3A_231 = vector.broadcast %and3A_230 : i32 to vector<16xi32>
      %and3A_232 = arith.andi %get3A_226, %and3A_231 : vector<16xi32>
      tpu.vector_store_idx %arg12[%shift_right_arithmetic3A_229, %and3A_232], %broadcast_in_dim3A_4 {add = true} : memref<640x16xf32, #tpu.memory_space<vmem>>[vector<16xi32>, vector<16xi32>], vector<16xf32>,
      %get3A_233 = arith.index_cast %add3A_190 : i32 to index
      %get3A_234 = arith.constant 32 : index
      %get3A_235 = tpu.vector_load %arg10[%get3A_233, %get3A_234] {strides = array<i32>} : memref<160x125xi32, #tpu.memory_space<vmem>>, vector<16xi32>,
      %shift_right_arithmetic3A_236 = arith.constant 4 : i32
      %shift_right_arithmetic3A_237 = vector.broadcast %shift_right_arithmetic3A_236 : i32 to vector<16xi32>
      %shift_right_arithmetic3A_238 = arith.shrsi %get3A_235, %shift_right_arithmetic3A_237 : vector<16xi32>
      %and3A_239 = arith.constant 15 : i32
      %and3A_240 = vector.broadcast %and3A_239 : i32 to vector<16xi32>
      %and3A_241 = arith.andi %get3A_235, %and3A_240 : vector<16xi32>
      tpu.vector_store_idx %arg12[%shift_right_arithmetic3A_238, %and3A_241], %broadcast_in_dim3A_4 {add = true} : memref<640x16xf32, #tpu.memory_space<vmem>>[vector<16xi32>, vector<16xi32>], vector<16xf32>,
      %get3A_242 = arith.index_cast %add3A_190 : i32 to index
      %get3A_243 = arith.constant 48 : index
      %get3A_244 = tpu.vector_load %arg10[%get3A_242, %get3A_243] {strides = array<i32>} : memref<160x125xi32, #tpu.memory_space<vmem>>, vector<16xi32>,
      %shift_right_arithmetic3A_245 = arith.constant 4 : i32
      %shift_right_arithmetic3A_246 = vector.broadcast %shift_right_arithmetic3A_245 : i32 to vector<16xi32>
      %shift_right_arithmetic3A_247 = arith.shrsi %get3A_244, %shift_right_arithmetic3A_246 : vector<16xi32>
      %and3A_248 = arith.constant 15 : i32
      %and3A_249 = vector.broadcast %and3A_248 : i32 to vector<16xi32>
      %and3A_250 = arith.andi %get3A_244, %and3A_249 : vector<16xi32>
      tpu.vector_store_idx %arg12[%shift_right_arithmetic3A_247, %and3A_250], %broadcast_in_dim3A_4 {add = true} : memref<640x16xf32, #tpu.memory_space<vmem>>[vector<16xi32>, vector<16xi32>], vector<16xf32>,
      %get3A_251 = arith.index_cast %add3A_190 : i32 to index
      %get3A_252 = arith.constant 64 : index
      %get3A_253 = tpu.vector_load %arg10[%get3A_251, %get3A_252] {strides = array<i32>} : memref<160x125xi32, #tpu.memory_space<vmem>>, vector<16xi32>,
      %shift_right_arithmetic3A_254 = arith.constant 4 : i32
      %shift_right_arithmetic3A_255 = vector.broadcast %shift_right_arithmetic3A_254 : i32 to vector<16xi32>
      %shift_right_arithmetic3A_256 = arith.shrsi %get3A_253, %shift_right_arithmetic3A_255 : vector<16xi32>
      %and3A_257 = arith.constant 15 : i32
      %and3A_258 = vector.broadcast %and3A_257 : i32 to vector<16xi32>
      %and3A_259 = arith.andi %get3A_253, %and3A_258 : vector<16xi32>
      tpu.vector_store_idx %arg12[%shift_right_arithmetic3A_256, %and3A_259], %broadcast_in_dim3A_4 {add = true} : memref<640x16xf32, #tpu.memory_space<vmem>>[vector<16xi32>, vector<16xi32>], vector<16xf32>,
      %get3A_260 = arith.index_cast %add3A_190 : i32 to index
      %get3A_261 = arith.constant 80 : index
      %get3A_262 = tpu.vector_load %arg10[%get3A_260, %get3A_261] {strides = array<i32>} : memref<160x125xi32, #tpu.memory_space<vmem>>, vector<16xi32>,
      %shift_right_arithmetic3A_263 = arith.constant 4 : i32
      %shift_right_arithmetic3A_264 = vector.broadcast %shift_right_arithmetic3A_263 : i32 to vector<16xi32>
      %shift_right_arithmetic3A_265 = arith.shrsi %get3A_262, %shift_right_arithmetic3A_264 : vector<16xi32>
      %and3A_266 = arith.constant 15 : i32
      %and3A_267 = vector.broadcast %and3A_266 : i32 to vector<16xi32>
      %and3A_268 = arith.andi %get3A_262, %and3A_267 : vector<16xi32>
      tpu.vector_store_idx %arg12[%shift_right_arithmetic3A_265, %and3A_268], %broadcast_in_dim3A_4 {add = true} : memref<640x16xf32, #tpu.memory_space<vmem>>[vector<16xi32>, vector<16xi32>], vector<16xf32>,
      %get3A_269 = arith.index_cast %add3A_190 : i32 to index
      %get3A_270 = arith.constant 96 : index
      %get3A_271 = tpu.vector_load %arg10[%get3A_269, %get3A_270] {strides = array<i32>} : memref<160x125xi32, #tpu.memory_space<vmem>>, vector<16xi32>,
      %shift_right_arithmetic3A_272 = arith.constant 4 : i32
      %shift_right_arithmetic3A_273 = vector.broadcast %shift_right_arithmetic3A_272 : i32 to vector<16xi32>
      %shift_right_arithmetic3A_274 = arith.shrsi %get3A_271, %shift_right_arithmetic3A_273 : vector<16xi32>
      %and3A_275 = arith.constant 15 : i32
      %and3A_276 = vector.broadcast %and3A_275 : i32 to vector<16xi32>
      %and3A_277 = arith.andi %get3A_271, %and3A_276 : vector<16xi32>
      tpu.vector_store_idx %arg12[%shift_right_arithmetic3A_274, %and3A_277], %broadcast_in_dim3A_4 {add = true} : memref<640x16xf32, #tpu.memory_space<vmem>>[vector<16xi32>, vector<16xi32>], vector<16xf32>,
      %get3A_278 = arith.index_cast %add3A_190 : i32 to index
      %get3A_279 = arith.constant 109 : index
      %get3A_280 = tpu.vector_load %arg10[%get3A_278, %get3A_279] {strides = array<i32>} : memref<160x125xi32, #tpu.memory_space<vmem>>, vector<16xi32>,
      %shift_right_arithmetic3A_281 = arith.constant 4 : i32
      %shift_right_arithmetic3A_282 = vector.broadcast %shift_right_arithmetic3A_281 : i32 to vector<16xi32>
      %shift_right_arithmetic3A_283 = arith.shrsi %get3A_280, %shift_right_arithmetic3A_282 : vector<16xi32>
      %and3A_284 = arith.constant 15 : i32
      %and3A_285 = vector.broadcast %and3A_284 : i32 to vector<16xi32>
      %and3A_286 = arith.andi %get3A_280, %and3A_285 : vector<16xi32>
      tpu.vector_store_idx %arg12[%shift_right_arithmetic3A_283, %and3A_286], %broadcast_in_dim3A_4 masked %ge3A_6 {add = true} : memref<640x16xf32, #tpu.memory_space<vmem>>[vector<16xi32>, vector<16xi32>], vector<16xf32>, vector<16xi1>
      %ge3A_287 = arith.constant 1 : i32
      %ge3A_288 = arith.cmpi sge, %add3A_190, %ge3A_287 : i32
      %convert_element_type3A_289 = arith.extui %ge3A_288 : i1 to i32
      %cond3A_290 = arith.constant 0 : i32
      %cond3A_291 = arith.cmpi ne, %convert_element_type3A_289, %cond3A_290 : i32
      scf.if %cond3A_291 {
        %sub3A = arith.constant 1 : i32
        %sub3A_524 = arith.subi %add3A_190, %sub3A : i32
        %dma_wait3A_525 = arith.constant 0 : i32
        %dma_wait3A_526 = arith.constant 0 : i32
        %dma_wait3A_527 = arith.constant 0 : i32
        %dma_wait3A_528 = tpu.memref_slice %arg11[%dma_wait3A_525, %dma_wait3A_526, %dma_wait3A_527] : memref<4x125x64xf32, #tpu.memory_space<vmem>> -> memref<1x125x64xf32, #tpu.memory_space<vmem>>
        %dma_wait3A_529 = tpu.memref_squeeze %dma_wait3A_528 : memref<1x125x64xf32, #tpu.memory_space<vmem>> -> memref<125x64xf32, #tpu.memory_space<vmem>>
        %dma_wait3A_530 = arith.constant 0 : i32
        %dma_wait3A_531 = tpu.memref_slice %arg10[%sub3A_524, %dma_wait3A_530] : memref<160x125xi32, #tpu.memory_space<vmem>> -> memref<1x125xi32, #tpu.memory_space<vmem>>
        %dma_wait3A_532 = tpu.memref_squeeze %dma_wait3A_531 : memref<1x125xi32, #tpu.memory_space<vmem>> -> memref<125xi32, #tpu.memory_space<vmem>>
        %dma_wait3A_533 = arith.constant 0 : i32
        %dma_wait3A_534 = arith.constant 0 : i32
        %dma_wait3A_535 = tpu.memref_slice %arg14[%dma_wait3A_533, %dma_wait3A_534] : memref<10240x64xf32, #tpu.memory_space<vmem_shared>> -> memref<10240x64xf32, #tpu.memory_space<vmem_shared>>
        tpu.wait_indirect_dma semaphore(%arg20 : memref<!tpu.dma_semaphore, #tpu.memory_space<semaphore_mem>>) src(%dma_wait3A_529 : memref<125x64xf32, #tpu.memory_space<vmem>>) dst(%dma_wait3A_535 : memref<10240x64xf32, #tpu.memory_space<vmem_shared>>)
      } else {
      }
      %add3A_292 = arith.constant 3 : i32
      %add3A_293 = arith.addi %add3A_190, %add3A_292 : i32
      %lt3A_294 = arith.constant 160 : i32
      %lt3A_295 = arith.cmpi slt, %add3A_293, %lt3A_294 : i32
      %convert_element_type3A_296 = arith.extui %lt3A_295 : i1 to i32
      %cond3A_297 = arith.constant 0 : i32
      %cond3A_298 = arith.cmpi ne, %convert_element_type3A_296, %cond3A_297 : i32
      scf.if %cond3A_298 {
        %add3A_524 = arith.constant 3 : i32
        %add3A_525 = arith.addi %add3A_190, %add3A_524 : i32
        %dma_start3A_526 = arith.constant 0 : i32
        %dma_start3A_527 = arith.constant 0 : i32
        %dma_start3A_528 = arith.constant 0 : i32
        %dma_start3A_529 = tpu.memref_slice %arg11[%dma_start3A_526, %dma_start3A_527, %dma_start3A_528] : memref<4x125x64xf32, #tpu.memory_space<vmem>> -> memref<1x125x64xf32, #tpu.memory_space<vmem>>
        %dma_start3A_530 = tpu.memref_squeeze %dma_start3A_529 : memref<1x125x64xf32, #tpu.memory_space<vmem>> -> memref<125x64xf32, #tpu.memory_space<vmem>>
        %dma_start3A_531 = arith.constant 0 : i32
        %dma_start3A_532 = tpu.memref_slice %arg9[%add3A_525, %dma_start3A_531] : memref<160x125xi32, #tpu.memory_space<vmem>> -> memref<1x125xi32, #tpu.memory_space<vmem>>
        %dma_start3A_533 = tpu.memref_squeeze %dma_start3A_532 : memref<1x125xi32, #tpu.memory_space<vmem>> -> memref<125xi32, #tpu.memory_space<vmem>>
        %dma_start3A_534 = arith.constant 0 : i32
        %dma_start3A_535 = tpu.memref_slice %arg2[%arg0, %dma_start3A_534] : memref<20000x64xf32, #tpu.memory_space<hbm>> -> memref<19999x64xf32, #tpu.memory_space<hbm>>
        %dma_start3A_536 = arith.constant 0 : i32
        %dma_start3A_537 = arith.constant 0 : i32
        %dma_start3A_538 = tpu.memref_slice %dma_start3A_535[%dma_start3A_536, %dma_start3A_537] : memref<19999x64xf32, #tpu.memory_space<hbm>> -> memref<19999x64xf32, #tpu.memory_space<hbm>>
        tpu.enqueue_indirect_dma source(%dma_start3A_538 : memref<19999x64xf32, #tpu.memory_space<hbm>>) target(%dma_start3A_530 : memref<125x64xf32, #tpu.memory_space<vmem>>) offsets(%dma_start3A_533 : memref<125xi32, #tpu.memory_space<vmem>>) semaphore(%arg16 : memref<!tpu.dma_semaphore, #tpu.memory_space<semaphore_mem>>)
      } else {
      }
      %mul3A_299 = arith.constant 4 : i32
      %mul3A_300 = arith.muli %mul3A_299, %scan3A_77 : i32
      %add3A_301 = arith.constant 2 : i32
      %add3A_302 = arith.addi %mul3A_300, %add3A_301 : i32
      %dma_wait3A_303 = arith.constant 2 : i32
      %dma_wait3A_304 = arith.constant 0 : i32
      %dma_wait3A_305 = arith.constant 0 : i32
      %dma_wait3A_306 = tpu.memref_slice %arg11[%dma_wait3A_303, %dma_wait3A_304, %dma_wait3A_305] : memref<4x125x64xf32, #tpu.memory_space<vmem>> -> memref<1x125x64xf32, #tpu.memory_space<vmem>>
      %dma_wait3A_307 = tpu.memref_squeeze %dma_wait3A_306 : memref<1x125x64xf32, #tpu.memory_space<vmem>> -> memref<125x64xf32, #tpu.memory_space<vmem>>
      %dma_wait3A_308 = arith.constant 0 : i32
      %dma_wait3A_309 = tpu.memref_slice %arg9[%add3A_302, %dma_wait3A_308] : memref<160x125xi32, #tpu.memory_space<vmem>> -> memref<1x125xi32, #tpu.memory_space<vmem>>
      %dma_wait3A_310 = tpu.memref_squeeze %dma_wait3A_309 : memref<1x125xi32, #tpu.memory_space<vmem>> -> memref<125xi32, #tpu.memory_space<vmem>>
      %dma_wait3A_311 = arith.constant 0 : i32
      %dma_wait3A_312 = tpu.memref_slice %arg2[%arg0, %dma_wait3A_311] : memref<20000x64xf32, #tpu.memory_space<hbm>> -> memref<19999x64xf32, #tpu.memory_space<hbm>>
      %dma_wait3A_313 = arith.constant 0 : i32
      %dma_wait3A_314 = arith.constant 0 : i32
      %dma_wait3A_315 = tpu.memref_slice %dma_wait3A_312[%dma_wait3A_313, %dma_wait3A_314] : memref<19999x64xf32, #tpu.memory_space<hbm>> -> memref<19999x64xf32, #tpu.memory_space<hbm>>
      tpu.wait_indirect_dma semaphore(%arg18 : memref<!tpu.dma_semaphore, #tpu.memory_space<semaphore_mem>>) src(%dma_wait3A_315 : memref<19999x64xf32, #tpu.memory_space<hbm>>) dst(%dma_wait3A_307 : memref<125x64xf32, #tpu.memory_space<vmem>>)
      %dma_start3A_316 = arith.constant 2 : i32
      %dma_start3A_317 = arith.constant 0 : i32
      %dma_start3A_318 = arith.constant 0 : i32
      %dma_start3A_319 = tpu.memref_slice %arg11[%dma_start3A_316, %dma_start3A_317, %dma_start3A_318] : memref<4x125x64xf32, #tpu.memory_space<vmem>> -> memref<1x125x64xf32, #tpu.memory_space<vmem>>
      %dma_start3A_320 = tpu.memref_squeeze %dma_start3A_319 : memref<1x125x64xf32, #tpu.memory_space<vmem>> -> memref<125x64xf32, #tpu.memory_space<vmem>>
      %dma_start3A_321 = arith.constant 0 : i32
      %dma_start3A_322 = tpu.memref_slice %arg10[%add3A_302, %dma_start3A_321] : memref<160x125xi32, #tpu.memory_space<vmem>> -> memref<1x125xi32, #tpu.memory_space<vmem>>
      %dma_start3A_323 = tpu.memref_squeeze %dma_start3A_322 : memref<1x125xi32, #tpu.memory_space<vmem>> -> memref<125xi32, #tpu.memory_space<vmem>>
      %dma_start3A_324 = arith.constant 0 : i32
      %dma_start3A_325 = arith.constant 0 : i32
      %dma_start3A_326 = tpu.memref_slice %arg14[%dma_start3A_324, %dma_start3A_325] : memref<10240x64xf32, #tpu.memory_space<vmem_shared>> -> memref<10240x64xf32, #tpu.memory_space<vmem_shared>>
      tpu.enqueue_indirect_dma source(%dma_start3A_320 : memref<125x64xf32, #tpu.memory_space<vmem>>) target(%dma_start3A_326 : memref<10240x64xf32, #tpu.memory_space<vmem_shared>>) offsets(%dma_start3A_323 : memref<125xi32, #tpu.memory_space<vmem>>) semaphore(%arg20 : memref<!tpu.dma_semaphore, #tpu.memory_space<semaphore_mem>>) {add = true}
      %get3A_327 = arith.index_cast %add3A_302 : i32 to index
      %get3A_328 = arith.constant 0 : index
      %get3A_329 = tpu.vector_load %arg10[%get3A_327, %get3A_328] {strides = array<i32>} : memref<160x125xi32, #tpu.memory_space<vmem>>, vector<16xi32>,
      %shift_right_arithmetic3A_330 = arith.constant 4 : i32
      %shift_right_arithmetic3A_331 = vector.broadcast %shift_right_arithmetic3A_330 : i32 to vector<16xi32>
      %shift_right_arithmetic3A_332 = arith.shrsi %get3A_329, %shift_right_arithmetic3A_331 : vector<16xi32>
      %and3A_333 = arith.constant 15 : i32
      %and3A_334 = vector.broadcast %and3A_333 : i32 to vector<16xi32>
      %and3A_335 = arith.andi %get3A_329, %and3A_334 : vector<16xi32>
      tpu.vector_store_idx %arg12[%shift_right_arithmetic3A_332, %and3A_335], %broadcast_in_dim3A_4 {add = true} : memref<640x16xf32, #tpu.memory_space<vmem>>[vector<16xi32>, vector<16xi32>], vector<16xf32>,
      %get3A_336 = arith.index_cast %add3A_302 : i32 to index
      %get3A_337 = arith.constant 16 : index
      %get3A_338 = tpu.vector_load %arg10[%get3A_336, %get3A_337] {strides = array<i32>} : memref<160x125xi32, #tpu.memory_space<vmem>>, vector<16xi32>,
      %shift_right_arithmetic3A_339 = arith.constant 4 : i32
      %shift_right_arithmetic3A_340 = vector.broadcast %shift_right_arithmetic3A_339 : i32 to vector<16xi32>
      %shift_right_arithmetic3A_341 = arith.shrsi %get3A_338, %shift_right_arithmetic3A_340 : vector<16xi32>
      %and3A_342 = arith.constant 15 : i32
      %and3A_343 = vector.broadcast %and3A_342 : i32 to vector<16xi32>
      %and3A_344 = arith.andi %get3A_338, %and3A_343 : vector<16xi32>
      tpu.vector_store_idx %arg12[%shift_right_arithmetic3A_341, %and3A_344], %broadcast_in_dim3A_4 {add = true} : memref<640x16xf32, #tpu.memory_space<vmem>>[vector<16xi32>, vector<16xi32>], vector<16xf32>,
      %get3A_345 = arith.index_cast %add3A_302 : i32 to index
      %get3A_346 = arith.constant 32 : index
      %get3A_347 = tpu.vector_load %arg10[%get3A_345, %get3A_346] {strides = array<i32>} : memref<160x125xi32, #tpu.memory_space<vmem>>, vector<16xi32>,
      %shift_right_arithmetic3A_348 = arith.constant 4 : i32
      %shift_right_arithmetic3A_349 = vector.broadcast %shift_right_arithmetic3A_348 : i32 to vector<16xi32>
      %shift_right_arithmetic3A_350 = arith.shrsi %get3A_347, %shift_right_arithmetic3A_349 : vector<16xi32>
      %and3A_351 = arith.constant 15 : i32
      %and3A_352 = vector.broadcast %and3A_351 : i32 to vector<16xi32>
      %and3A_353 = arith.andi %get3A_347, %and3A_352 : vector<16xi32>
      tpu.vector_store_idx %arg12[%shift_right_arithmetic3A_350, %and3A_353], %broadcast_in_dim3A_4 {add = true} : memref<640x16xf32, #tpu.memory_space<vmem>>[vector<16xi32>, vector<16xi32>], vector<16xf32>,
      %get3A_354 = arith.index_cast %add3A_302 : i32 to index
      %get3A_355 = arith.constant 48 : index
      %get3A_356 = tpu.vector_load %arg10[%get3A_354, %get3A_355] {strides = array<i32>} : memref<160x125xi32, #tpu.memory_space<vmem>>, vector<16xi32>,
      %shift_right_arithmetic3A_357 = arith.constant 4 : i32
      %shift_right_arithmetic3A_358 = vector.broadcast %shift_right_arithmetic3A_357 : i32 to vector<16xi32>
      %shift_right_arithmetic3A_359 = arith.shrsi %get3A_356, %shift_right_arithmetic3A_358 : vector<16xi32>
      %and3A_360 = arith.constant 15 : i32
      %and3A_361 = vector.broadcast %and3A_360 : i32 to vector<16xi32>
      %and3A_362 = arith.andi %get3A_356, %and3A_361 : vector<16xi32>
      tpu.vector_store_idx %arg12[%shift_right_arithmetic3A_359, %and3A_362], %broadcast_in_dim3A_4 {add = true} : memref<640x16xf32, #tpu.memory_space<vmem>>[vector<16xi32>, vector<16xi32>], vector<16xf32>,
      %get3A_363 = arith.index_cast %add3A_302 : i32 to index
      %get3A_364 = arith.constant 64 : index
      %get3A_365 = tpu.vector_load %arg10[%get3A_363, %get3A_364] {strides = array<i32>} : memref<160x125xi32, #tpu.memory_space<vmem>>, vector<16xi32>,
      %shift_right_arithmetic3A_366 = arith.constant 4 : i32
      %shift_right_arithmetic3A_367 = vector.broadcast %shift_right_arithmetic3A_366 : i32 to vector<16xi32>
      %shift_right_arithmetic3A_368 = arith.shrsi %get3A_365, %shift_right_arithmetic3A_367 : vector<16xi32>
      %and3A_369 = arith.constant 15 : i32
      %and3A_370 = vector.broadcast %and3A_369 : i32 to vector<16xi32>
      %and3A_371 = arith.andi %get3A_365, %and3A_370 : vector<16xi32>
      tpu.vector_store_idx %arg12[%shift_right_arithmetic3A_368, %and3A_371], %broadcast_in_dim3A_4 {add = true} : memref<640x16xf32, #tpu.memory_space<vmem>>[vector<16xi32>, vector<16xi32>], vector<16xf32>,
      %get3A_372 = arith.index_cast %add3A_302 : i32 to index
      %get3A_373 = arith.constant 80 : index
      %get3A_374 = tpu.vector_load %arg10[%get3A_372, %get3A_373] {strides = array<i32>} : memref<160x125xi32, #tpu.memory_space<vmem>>, vector<16xi32>,
      %shift_right_arithmetic3A_375 = arith.constant 4 : i32
      %shift_right_arithmetic3A_376 = vector.broadcast %shift_right_arithmetic3A_375 : i32 to vector<16xi32>
      %shift_right_arithmetic3A_377 = arith.shrsi %get3A_374, %shift_right_arithmetic3A_376 : vector<16xi32>
      %and3A_378 = arith.constant 15 : i32
      %and3A_379 = vector.broadcast %and3A_378 : i32 to vector<16xi32>
      %and3A_380 = arith.andi %get3A_374, %and3A_379 : vector<16xi32>
      tpu.vector_store_idx %arg12[%shift_right_arithmetic3A_377, %and3A_380], %broadcast_in_dim3A_4 {add = true} : memref<640x16xf32, #tpu.memory_space<vmem>>[vector<16xi32>, vector<16xi32>], vector<16xf32>,
      %get3A_381 = arith.index_cast %add3A_302 : i32 to index
      %get3A_382 = arith.constant 96 : index
      %get3A_383 = tpu.vector_load %arg10[%get3A_381, %get3A_382] {strides = array<i32>} : memref<160x125xi32, #tpu.memory_space<vmem>>, vector<16xi32>,
      %shift_right_arithmetic3A_384 = arith.constant 4 : i32
      %shift_right_arithmetic3A_385 = vector.broadcast %shift_right_arithmetic3A_384 : i32 to vector<16xi32>
      %shift_right_arithmetic3A_386 = arith.shrsi %get3A_383, %shift_right_arithmetic3A_385 : vector<16xi32>
      %and3A_387 = arith.constant 15 : i32
      %and3A_388 = vector.broadcast %and3A_387 : i32 to vector<16xi32>
      %and3A_389 = arith.andi %get3A_383, %and3A_388 : vector<16xi32>
      tpu.vector_store_idx %arg12[%shift_right_arithmetic3A_386, %and3A_389], %broadcast_in_dim3A_4 {add = true} : memref<640x16xf32, #tpu.memory_space<vmem>>[vector<16xi32>, vector<16xi32>], vector<16xf32>,
      %get3A_390 = arith.index_cast %add3A_302 : i32 to index
      %get3A_391 = arith.constant 109 : index
      %get3A_392 = tpu.vector_load %arg10[%get3A_390, %get3A_391] {strides = array<i32>} : memref<160x125xi32, #tpu.memory_space<vmem>>, vector<16xi32>,
      %shift_right_arithmetic3A_393 = arith.constant 4 : i32
      %shift_right_arithmetic3A_394 = vector.broadcast %shift_right_arithmetic3A_393 : i32 to vector<16xi32>
      %shift_right_arithmetic3A_395 = arith.shrsi %get3A_392, %shift_right_arithmetic3A_394 : vector<16xi32>
      %and3A_396 = arith.constant 15 : i32
      %and3A_397 = vector.broadcast %and3A_396 : i32 to vector<16xi32>
      %and3A_398 = arith.andi %get3A_392, %and3A_397 : vector<16xi32>
      tpu.vector_store_idx %arg12[%shift_right_arithmetic3A_395, %and3A_398], %broadcast_in_dim3A_4 masked %ge3A_6 {add = true} : memref<640x16xf32, #tpu.memory_space<vmem>>[vector<16xi32>, vector<16xi32>], vector<16xf32>, vector<16xi1>
      %ge3A_399 = arith.constant 1 : i32
      %ge3A_400 = arith.cmpi sge, %add3A_302, %ge3A_399 : i32
      %convert_element_type3A_401 = arith.extui %ge3A_400 : i1 to i32
      %cond3A_402 = arith.constant 0 : i32
      %cond3A_403 = arith.cmpi ne, %convert_element_type3A_401, %cond3A_402 : i32
      scf.if %cond3A_403 {
        %sub3A = arith.constant 1 : i32
        %sub3A_524 = arith.subi %add3A_302, %sub3A : i32
        %dma_wait3A_525 = arith.constant 0 : i32
        %dma_wait3A_526 = arith.constant 0 : i32
        %dma_wait3A_527 = arith.constant 0 : i32
        %dma_wait3A_528 = tpu.memref_slice %arg11[%dma_wait3A_525, %dma_wait3A_526, %dma_wait3A_527] : memref<4x125x64xf32, #tpu.memory_space<vmem>> -> memref<1x125x64xf32, #tpu.memory_space<vmem>>
        %dma_wait3A_529 = tpu.memref_squeeze %dma_wait3A_528 : memref<1x125x64xf32, #tpu.memory_space<vmem>> -> memref<125x64xf32, #tpu.memory_space<vmem>>
        %dma_wait3A_530 = arith.constant 0 : i32
        %dma_wait3A_531 = tpu.memref_slice %arg10[%sub3A_524, %dma_wait3A_530] : memref<160x125xi32, #tpu.memory_space<vmem>> -> memref<1x125xi32, #tpu.memory_space<vmem>>
        %dma_wait3A_532 = tpu.memref_squeeze %dma_wait3A_531 : memref<1x125xi32, #tpu.memory_space<vmem>> -> memref<125xi32, #tpu.memory_space<vmem>>
        %dma_wait3A_533 = arith.constant 0 : i32
        %dma_wait3A_534 = arith.constant 0 : i32
        %dma_wait3A_535 = tpu.memref_slice %arg14[%dma_wait3A_533, %dma_wait3A_534] : memref<10240x64xf32, #tpu.memory_space<vmem_shared>> -> memref<10240x64xf32, #tpu.memory_space<vmem_shared>>
        tpu.wait_indirect_dma semaphore(%arg20 : memref<!tpu.dma_semaphore, #tpu.memory_space<semaphore_mem>>) src(%dma_wait3A_529 : memref<125x64xf32, #tpu.memory_space<vmem>>) dst(%dma_wait3A_535 : memref<10240x64xf32, #tpu.memory_space<vmem_shared>>)
      } else {
      }
      %add3A_404 = arith.constant 3 : i32
      %add3A_405 = arith.addi %add3A_302, %add3A_404 : i32
      %lt3A_406 = arith.constant 160 : i32
      %lt3A_407 = arith.cmpi slt, %add3A_405, %lt3A_406 : i32
      %convert_element_type3A_408 = arith.extui %lt3A_407 : i1 to i32
      %cond3A_409 = arith.constant 0 : i32
      %cond3A_410 = arith.cmpi ne, %convert_element_type3A_408, %cond3A_409 : i32
      scf.if %cond3A_410 {
        %add3A_524 = arith.constant 3 : i32
        %add3A_525 = arith.addi %add3A_302, %add3A_524 : i32
        %dma_start3A_526 = arith.constant 1 : i32
        %dma_start3A_527 = arith.constant 0 : i32
        %dma_start3A_528 = arith.constant 0 : i32
        %dma_start3A_529 = tpu.memref_slice %arg11[%dma_start3A_526, %dma_start3A_527, %dma_start3A_528] : memref<4x125x64xf32, #tpu.memory_space<vmem>> -> memref<1x125x64xf32, #tpu.memory_space<vmem>>
        %dma_start3A_530 = tpu.memref_squeeze %dma_start3A_529 : memref<1x125x64xf32, #tpu.memory_space<vmem>> -> memref<125x64xf32, #tpu.memory_space<vmem>>
        %dma_start3A_531 = arith.constant 0 : i32
        %dma_start3A_532 = tpu.memref_slice %arg9[%add3A_525, %dma_start3A_531] : memref<160x125xi32, #tpu.memory_space<vmem>> -> memref<1x125xi32, #tpu.memory_space<vmem>>
        %dma_start3A_533 = tpu.memref_squeeze %dma_start3A_532 : memref<1x125xi32, #tpu.memory_space<vmem>> -> memref<125xi32, #tpu.memory_space<vmem>>
        %dma_start3A_534 = arith.constant 0 : i32
        %dma_start3A_535 = tpu.memref_slice %arg2[%arg0, %dma_start3A_534] : memref<20000x64xf32, #tpu.memory_space<hbm>> -> memref<19999x64xf32, #tpu.memory_space<hbm>>
        %dma_start3A_536 = arith.constant 0 : i32
        %dma_start3A_537 = arith.constant 0 : i32
        %dma_start3A_538 = tpu.memref_slice %dma_start3A_535[%dma_start3A_536, %dma_start3A_537] : memref<19999x64xf32, #tpu.memory_space<hbm>> -> memref<19999x64xf32, #tpu.memory_space<hbm>>
        tpu.enqueue_indirect_dma source(%dma_start3A_538 : memref<19999x64xf32, #tpu.memory_space<hbm>>) target(%dma_start3A_530 : memref<125x64xf32, #tpu.memory_space<vmem>>) offsets(%dma_start3A_533 : memref<125xi32, #tpu.memory_space<vmem>>) semaphore(%arg17 : memref<!tpu.dma_semaphore, #tpu.memory_space<semaphore_mem>>)
      } else {
      }
      %mul3A_411 = arith.constant 4 : i32
      %mul3A_412 = arith.muli %mul3A_411, %scan3A_77 : i32
      %add3A_413 = arith.constant 3 : i32
      %add3A_414 = arith.addi %mul3A_412, %add3A_413 : i32
      %dma_wait3A_415 = arith.constant 3 : i32
      %dma_wait3A_416 = arith.constant 0 : i32
      %dma_wait3A_417 = arith.constant 0 : i32
      %dma_wait3A_418 = tpu.memref_slice %arg11[%dma_wait3A_415, %dma_wait3A_416, %dma_wait3A_417] : memref<4x125x64xf32, #tpu.memory_space<vmem>> -> memref<1x125x64xf32, #tpu.memory_space<vmem>>
      %dma_wait3A_419 = tpu.memref_squeeze %dma_wait3A_418 : memref<1x125x64xf32, #tpu.memory_space<vmem>> -> memref<125x64xf32, #tpu.memory_space<vmem>>
      %dma_wait3A_420 = arith.constant 0 : i32
      %dma_wait3A_421 = tpu.memref_slice %arg9[%add3A_414, %dma_wait3A_420] : memref<160x125xi32, #tpu.memory_space<vmem>> -> memref<1x125xi32, #tpu.memory_space<vmem>>
      %dma_wait3A_422 = tpu.memref_squeeze %dma_wait3A_421 : memref<1x125xi32, #tpu.memory_space<vmem>> -> memref<125xi32, #tpu.memory_space<vmem>>
      %dma_wait3A_423 = arith.constant 0 : i32
      %dma_wait3A_424 = tpu.memref_slice %arg2[%arg0, %dma_wait3A_423] : memref<20000x64xf32, #tpu.memory_space<hbm>> -> memref<19999x64xf32, #tpu.memory_space<hbm>>
      %dma_wait3A_425 = arith.constant 0 : i32
      %dma_wait3A_426 = arith.constant 0 : i32
      %dma_wait3A_427 = tpu.memref_slice %dma_wait3A_424[%dma_wait3A_425, %dma_wait3A_426] : memref<19999x64xf32, #tpu.memory_space<hbm>> -> memref<19999x64xf32, #tpu.memory_space<hbm>>
      tpu.wait_indirect_dma semaphore(%arg19 : memref<!tpu.dma_semaphore, #tpu.memory_space<semaphore_mem>>) src(%dma_wait3A_427 : memref<19999x64xf32, #tpu.memory_space<hbm>>) dst(%dma_wait3A_419 : memref<125x64xf32, #tpu.memory_space<vmem>>)
      %dma_start3A_428 = arith.constant 3 : i32
      %dma_start3A_429 = arith.constant 0 : i32
      %dma_start3A_430 = arith.constant 0 : i32
      %dma_start3A_431 = tpu.memref_slice %arg11[%dma_start3A_428, %dma_start3A_429, %dma_start3A_430] : memref<4x125x64xf32, #tpu.memory_space<vmem>> -> memref<1x125x64xf32, #tpu.memory_space<vmem>>
      %dma_start3A_432 = tpu.memref_squeeze %dma_start3A_431 : memref<1x125x64xf32, #tpu.memory_space<vmem>> -> memref<125x64xf32, #tpu.memory_space<vmem>>
      %dma_start3A_433 = arith.constant 0 : i32
      %dma_start3A_434 = tpu.memref_slice %arg10[%add3A_414, %dma_start3A_433] : memref<160x125xi32, #tpu.memory_space<vmem>> -> memref<1x125xi32, #tpu.memory_space<vmem>>
      %dma_start3A_435 = tpu.memref_squeeze %dma_start3A_434 : memref<1x125xi32, #tpu.memory_space<vmem>> -> memref<125xi32, #tpu.memory_space<vmem>>
      %dma_start3A_436 = arith.constant 0 : i32
      %dma_start3A_437 = arith.constant 0 : i32
      %dma_start3A_438 = tpu.memref_slice %arg14[%dma_start3A_436, %dma_start3A_437] : memref<10240x64xf32, #tpu.memory_space<vmem_shared>> -> memref<10240x64xf32, #tpu.memory_space<vmem_shared>>
      tpu.enqueue_indirect_dma source(%dma_start3A_432 : memref<125x64xf32, #tpu.memory_space<vmem>>) target(%dma_start3A_438 : memref<10240x64xf32, #tpu.memory_space<vmem_shared>>) offsets(%dma_start3A_435 : memref<125xi32, #tpu.memory_space<vmem>>) semaphore(%arg20 : memref<!tpu.dma_semaphore, #tpu.memory_space<semaphore_mem>>) {add = true}
      %get3A_439 = arith.index_cast %add3A_414 : i32 to index
      %get3A_440 = arith.constant 0 : index
      %get3A_441 = tpu.vector_load %arg10[%get3A_439, %get3A_440] {strides = array<i32>} : memref<160x125xi32, #tpu.memory_space<vmem>>, vector<16xi32>,
      %shift_right_arithmetic3A_442 = arith.constant 4 : i32
      %shift_right_arithmetic3A_443 = vector.broadcast %shift_right_arithmetic3A_442 : i32 to vector<16xi32>
      %shift_right_arithmetic3A_444 = arith.shrsi %get3A_441, %shift_right_arithmetic3A_443 : vector<16xi32>
      %and3A_445 = arith.constant 15 : i32
      %and3A_446 = vector.broadcast %and3A_445 : i32 to vector<16xi32>
      %and3A_447 = arith.andi %get3A_441, %and3A_446 : vector<16xi32>
      tpu.vector_store_idx %arg12[%shift_right_arithmetic3A_444, %and3A_447], %broadcast_in_dim3A_4 {add = true} : memref<640x16xf32, #tpu.memory_space<vmem>>[vector<16xi32>, vector<16xi32>], vector<16xf32>,
      %get3A_448 = arith.index_cast %add3A_414 : i32 to index
      %get3A_449 = arith.constant 16 : index
      %get3A_450 = tpu.vector_load %arg10[%get3A_448, %get3A_449] {strides = array<i32>} : memref<160x125xi32, #tpu.memory_space<vmem>>, vector<16xi32>,
      %shift_right_arithmetic3A_451 = arith.constant 4 : i32
      %shift_right_arithmetic3A_452 = vector.broadcast %shift_right_arithmetic3A_451 : i32 to vector<16xi32>
      %shift_right_arithmetic3A_453 = arith.shrsi %get3A_450, %shift_right_arithmetic3A_452 : vector<16xi32>
      %and3A_454 = arith.constant 15 : i32
      %and3A_455 = vector.broadcast %and3A_454 : i32 to vector<16xi32>
      %and3A_456 = arith.andi %get3A_450, %and3A_455 : vector<16xi32>
      tpu.vector_store_idx %arg12[%shift_right_arithmetic3A_453, %and3A_456], %broadcast_in_dim3A_4 {add = true} : memref<640x16xf32, #tpu.memory_space<vmem>>[vector<16xi32>, vector<16xi32>], vector<16xf32>,
      %get3A_457 = arith.index_cast %add3A_414 : i32 to index
      %get3A_458 = arith.constant 32 : index
      %get3A_459 = tpu.vector_load %arg10[%get3A_457, %get3A_458] {strides = array<i32>} : memref<160x125xi32, #tpu.memory_space<vmem>>, vector<16xi32>,
      %shift_right_arithmetic3A_460 = arith.constant 4 : i32
      %shift_right_arithmetic3A_461 = vector.broadcast %shift_right_arithmetic3A_460 : i32 to vector<16xi32>
      %shift_right_arithmetic3A_462 = arith.shrsi %get3A_459, %shift_right_arithmetic3A_461 : vector<16xi32>
      %and3A_463 = arith.constant 15 : i32
      %and3A_464 = vector.broadcast %and3A_463 : i32 to vector<16xi32>
      %and3A_465 = arith.andi %get3A_459, %and3A_464 : vector<16xi32>
      tpu.vector_store_idx %arg12[%shift_right_arithmetic3A_462, %and3A_465], %broadcast_in_dim3A_4 {add = true} : memref<640x16xf32, #tpu.memory_space<vmem>>[vector<16xi32>, vector<16xi32>], vector<16xf32>,
      %get3A_466 = arith.index_cast %add3A_414 : i32 to index
      %get3A_467 = arith.constant 48 : index
      %get3A_468 = tpu.vector_load %arg10[%get3A_466, %get3A_467] {strides = array<i32>} : memref<160x125xi32, #tpu.memory_space<vmem>>, vector<16xi32>,
      %shift_right_arithmetic3A_469 = arith.constant 4 : i32
      %shift_right_arithmetic3A_470 = vector.broadcast %shift_right_arithmetic3A_469 : i32 to vector<16xi32>
      %shift_right_arithmetic3A_471 = arith.shrsi %get3A_468, %shift_right_arithmetic3A_470 : vector<16xi32>
      %and3A_472 = arith.constant 15 : i32
      %and3A_473 = vector.broadcast %and3A_472 : i32 to vector<16xi32>
      %and3A_474 = arith.andi %get3A_468, %and3A_473 : vector<16xi32>
      tpu.vector_store_idx %arg12[%shift_right_arithmetic3A_471, %and3A_474], %broadcast_in_dim3A_4 {add = true} : memref<640x16xf32, #tpu.memory_space<vmem>>[vector<16xi32>, vector<16xi32>], vector<16xf32>,
      %get3A_475 = arith.index_cast %add3A_414 : i32 to index
      %get3A_476 = arith.constant 64 : index
      %get3A_477 = tpu.vector_load %arg10[%get3A_475, %get3A_476] {strides = array<i32>} : memref<160x125xi32, #tpu.memory_space<vmem>>, vector<16xi32>,
      %shift_right_arithmetic3A_478 = arith.constant 4 : i32
      %shift_right_arithmetic3A_479 = vector.broadcast %shift_right_arithmetic3A_478 : i32 to vector<16xi32>
      %shift_right_arithmetic3A_480 = arith.shrsi %get3A_477, %shift_right_arithmetic3A_479 : vector<16xi32>
      %and3A_481 = arith.constant 15 : i32
      %and3A_482 = vector.broadcast %and3A_481 : i32 to vector<16xi32>
      %and3A_483 = arith.andi %get3A_477, %and3A_482 : vector<16xi32>
      tpu.vector_store_idx %arg12[%shift_right_arithmetic3A_480, %and3A_483], %broadcast_in_dim3A_4 {add = true} : memref<640x16xf32, #tpu.memory_space<vmem>>[vector<16xi32>, vector<16xi32>], vector<16xf32>,
      %get3A_484 = arith.index_cast %add3A_414 : i32 to index
      %get3A_485 = arith.constant 80 : index
      %get3A_486 = tpu.vector_load %arg10[%get3A_484, %get3A_485] {strides = array<i32>} : memref<160x125xi32, #tpu.memory_space<vmem>>, vector<16xi32>,
      %shift_right_arithmetic3A_487 = arith.constant 4 : i32
      %shift_right_arithmetic3A_488 = vector.broadcast %shift_right_arithmetic3A_487 : i32 to vector<16xi32>
      %shift_right_arithmetic3A_489 = arith.shrsi %get3A_486, %shift_right_arithmetic3A_488 : vector<16xi32>
      %and3A_490 = arith.constant 15 : i32
      %and3A_491 = vector.broadcast %and3A_490 : i32 to vector<16xi32>
      %and3A_492 = arith.andi %get3A_486, %and3A_491 : vector<16xi32>
      tpu.vector_store_idx %arg12[%shift_right_arithmetic3A_489, %and3A_492], %broadcast_in_dim3A_4 {add = true} : memref<640x16xf32, #tpu.memory_space<vmem>>[vector<16xi32>, vector<16xi32>], vector<16xf32>,
      %get3A_493 = arith.index_cast %add3A_414 : i32 to index
      %get3A_494 = arith.constant 96 : index
      %get3A_495 = tpu.vector_load %arg10[%get3A_493, %get3A_494] {strides = array<i32>} : memref<160x125xi32, #tpu.memory_space<vmem>>, vector<16xi32>,
      %shift_right_arithmetic3A_496 = arith.constant 4 : i32
      %shift_right_arithmetic3A_497 = vector.broadcast %shift_right_arithmetic3A_496 : i32 to vector<16xi32>
      %shift_right_arithmetic3A_498 = arith.shrsi %get3A_495, %shift_right_arithmetic3A_497 : vector<16xi32>
      %and3A_499 = arith.constant 15 : i32
      %and3A_500 = vector.broadcast %and3A_499 : i32 to vector<16xi32>
      %and3A_501 = arith.andi %get3A_495, %and3A_500 : vector<16xi32>
      tpu.vector_store_idx %arg12[%shift_right_arithmetic3A_498, %and3A_501], %broadcast_in_dim3A_4 {add = true} : memref<640x16xf32, #tpu.memory_space<vmem>>[vector<16xi32>, vector<16xi32>], vector<16xf32>,
      %get3A_502 = arith.index_cast %add3A_414 : i32 to index
      %get3A_503 = arith.constant 109 : index
      %get3A_504 = tpu.vector_load %arg10[%get3A_502, %get3A_503] {strides = array<i32>} : memref<160x125xi32, #tpu.memory_space<vmem>>, vector<16xi32>,
      %shift_right_arithmetic3A_505 = arith.constant 4 : i32
      %shift_right_arithmetic3A_506 = vector.broadcast %shift_right_arithmetic3A_505 : i32 to vector<16xi32>
      %shift_right_arithmetic3A_507 = arith.shrsi %get3A_504, %shift_right_arithmetic3A_506 : vector<16xi32>
      %and3A_508 = arith.constant 15 : i32
      %and3A_509 = vector.broadcast %and3A_508 : i32 to vector<16xi32>
      %and3A_510 = arith.andi %get3A_504, %and3A_509 : vector<16xi32>
      tpu.vector_store_idx %arg12[%shift_right_arithmetic3A_507, %and3A_510], %broadcast_in_dim3A_4 masked %ge3A_6 {add = true} : memref<640x16xf32, #tpu.memory_space<vmem>>[vector<16xi32>, vector<16xi32>], vector<16xf32>, vector<16xi1>
      %ge3A_511 = arith.constant 1 : i32
      %ge3A_512 = arith.cmpi sge, %add3A_414, %ge3A_511 : i32
      %convert_element_type3A_513 = arith.extui %ge3A_512 : i1 to i32
      %cond3A_514 = arith.constant 0 : i32
      %cond3A_515 = arith.cmpi ne, %convert_element_type3A_513, %cond3A_514 : i32
      scf.if %cond3A_515 {
        %sub3A = arith.constant 1 : i32
        %sub3A_524 = arith.subi %add3A_414, %sub3A : i32
        %dma_wait3A_525 = arith.constant 0 : i32
        %dma_wait3A_526 = arith.constant 0 : i32
        %dma_wait3A_527 = arith.constant 0 : i32
        %dma_wait3A_528 = tpu.memref_slice %arg11[%dma_wait3A_525, %dma_wait3A_526, %dma_wait3A_527] : memref<4x125x64xf32, #tpu.memory_space<vmem>> -> memref<1x125x64xf32, #tpu.memory_space<vmem>>
        %dma_wait3A_529 = tpu.memref_squeeze %dma_wait3A_528 : memref<1x125x64xf32, #tpu.memory_space<vmem>> -> memref<125x64xf32, #tpu.memory_space<vmem>>
        %dma_wait3A_530 = arith.constant 0 : i32
        %dma_wait3A_531 = tpu.memref_slice %arg10[%sub3A_524, %dma_wait3A_530] : memref<160x125xi32, #tpu.memory_space<vmem>> -> memref<1x125xi32, #tpu.memory_space<vmem>>
        %dma_wait3A_532 = tpu.memref_squeeze %dma_wait3A_531 : memref<1x125xi32, #tpu.memory_space<vmem>> -> memref<125xi32, #tpu.memory_space<vmem>>
        %dma_wait3A_533 = arith.constant 0 : i32
        %dma_wait3A_534 = arith.constant 0 : i32
        %dma_wait3A_535 = tpu.memref_slice %arg14[%dma_wait3A_533, %dma_wait3A_534] : memref<10240x64xf32, #tpu.memory_space<vmem_shared>> -> memref<10240x64xf32, #tpu.memory_space<vmem_shared>>
        tpu.wait_indirect_dma semaphore(%arg20 : memref<!tpu.dma_semaphore, #tpu.memory_space<semaphore_mem>>) src(%dma_wait3A_529 : memref<125x64xf32, #tpu.memory_space<vmem>>) dst(%dma_wait3A_535 : memref<10240x64xf32, #tpu.memory_space<vmem_shared>>)
      } else {
      }
      %add3A_516 = arith.constant 3 : i32
      %add3A_517 = arith.addi %add3A_414, %add3A_516 : i32
      %lt3A_518 = arith.constant 160 : i32
      %lt3A_519 = arith.cmpi slt, %add3A_517, %lt3A_518 : i32
      %convert_element_type3A_520 = arith.extui %lt3A_519 : i1 to i32
      %cond3A_521 = arith.constant 0 : i32
      %cond3A_522 = arith.cmpi ne, %convert_element_type3A_520, %cond3A_521 : i32
      scf.if %cond3A_522 {
        %add3A_524 = arith.constant 3 : i32
        %add3A_525 = arith.addi %add3A_414, %add3A_524 : i32
        %dma_start3A_526 = arith.constant 2 : i32
        %dma_start3A_527 = arith.constant 0 : i32
        %dma_start3A_528 = arith.constant 0 : i32
        %dma_start3A_529 = tpu.memref_slice %arg11[%dma_start3A_526, %dma_start3A_527, %dma_start3A_528] : memref<4x125x64xf32, #tpu.memory_space<vmem>> -> memref<1x125x64xf32, #tpu.memory_space<vmem>>
        %dma_start3A_530 = tpu.memref_squeeze %dma_start3A_529 : memref<1x125x64xf32, #tpu.memory_space<vmem>> -> memref<125x64xf32, #tpu.memory_space<vmem>>
        %dma_start3A_531 = arith.constant 0 : i32
        %dma_start3A_532 = tpu.memref_slice %arg9[%add3A_525, %dma_start3A_531] : memref<160x125xi32, #tpu.memory_space<vmem>> -> memref<1x125xi32, #tpu.memory_space<vmem>>
        %dma_start3A_533 = tpu.memref_squeeze %dma_start3A_532 : memref<1x125xi32, #tpu.memory_space<vmem>> -> memref<125xi32, #tpu.memory_space<vmem>>
        %dma_start3A_534 = arith.constant 0 : i32
        %dma_start3A_535 = tpu.memref_slice %arg2[%arg0, %dma_start3A_534] : memref<20000x64xf32, #tpu.memory_space<hbm>> -> memref<19999x64xf32, #tpu.memory_space<hbm>>
        %dma_start3A_536 = arith.constant 0 : i32
        %dma_start3A_537 = arith.constant 0 : i32
        %dma_start3A_538 = tpu.memref_slice %dma_start3A_535[%dma_start3A_536, %dma_start3A_537] : memref<19999x64xf32, #tpu.memory_space<hbm>> -> memref<19999x64xf32, #tpu.memory_space<hbm>>
        tpu.enqueue_indirect_dma source(%dma_start3A_538 : memref<19999x64xf32, #tpu.memory_space<hbm>>) target(%dma_start3A_530 : memref<125x64xf32, #tpu.memory_space<vmem>>) offsets(%dma_start3A_533 : memref<125xi32, #tpu.memory_space<vmem>>) semaphore(%arg18 : memref<!tpu.dma_semaphore, #tpu.memory_space<semaphore_mem>>)
      } else {
      }
      %scan3A_523 = arith.constant 0 : i32
      scf.yield %scan3A_523 : i32
    }
    %scan3A_53 = arith.constant 40 : i32
    %dma_wait3A = arith.constant 0 : i32
    %dma_wait3A_54 = arith.constant 159 : i32
    %dma_wait3A_55 = arith.constant 0 : i32
    %dma_wait3A_56 = arith.constant 0 : i32
    %dma_wait3A_57 = tpu.memref_slice %arg11[%dma_wait3A, %dma_wait3A_55, %dma_wait3A_56] : memref<4x125x64xf32, #tpu.memory_space<vmem>> -> memref<1x125x64xf32, #tpu.memory_space<vmem>>
    %dma_wait3A_58 = tpu.memref_squeeze %dma_wait3A_57 : memref<1x125x64xf32, #tpu.memory_space<vmem>> -> memref<125x64xf32, #tpu.memory_space<vmem>>
    %dma_wait3A_59 = arith.constant 0 : i32
    %dma_wait3A_60 = tpu.memref_slice %arg10[%dma_wait3A_54, %dma_wait3A_59] : memref<160x125xi32, #tpu.memory_space<vmem>> -> memref<1x125xi32, #tpu.memory_space<vmem>>
    %dma_wait3A_61 = tpu.memref_squeeze %dma_wait3A_60 : memref<1x125xi32, #tpu.memory_space<vmem>> -> memref<125xi32, #tpu.memory_space<vmem>>
    %dma_wait3A_62 = arith.constant 0 : i32
    %dma_wait3A_63 = arith.constant 0 : i32
    %dma_wait3A_64 = tpu.memref_slice %arg14[%dma_wait3A_62, %dma_wait3A_63] : memref<10240x64xf32, #tpu.memory_space<vmem_shared>> -> memref<10240x64xf32, #tpu.memory_space<vmem_shared>>
    tpu.wait_indirect_dma semaphore(%arg20 : memref<!tpu.dma_semaphore, #tpu.memory_space<semaphore_mem>>) src(%dma_wait3A_58 : memref<125x64xf32, #tpu.memory_space<vmem>>) dst(%dma_wait3A_64 : memref<10240x64xf32, #tpu.memory_space<vmem_shared>>)
    %run_scoped3A_65 = arith.constant 0 : i32
    "tpu.region"() ({
      %run_scoped3A_77 = tpu.sem_alloc : memref<!tpu.dma_semaphore, #tpu.memory_space<semaphore_mem>>
      %dma_start3A_78 = arith.constant 0 : i32
      %dma_start3A_79 = arith.constant 0 : i32
      %dma_start3A_80 = tpu.memref_slice %arg12[%dma_start3A_78, %dma_start3A_79] : memref<640x16xf32, #tpu.memory_space<vmem>> -> memref<128x16xf32, #tpu.memory_space<vmem>>
      %dma_start3A_81 = arith.constant 0 : i32
      %dma_start3A_82 = tpu.memref_slice %arg13[%run_scoped3A_65, %dma_start3A_81] : memref<5x128xi32, #tpu.memory_space<vmem>> -> memref<1x128xi32, #tpu.memory_space<vmem>>
      %dma_start3A_83 = tpu.memref_squeeze %dma_start3A_82 : memref<1x128xi32, #tpu.memory_space<vmem>> -> memref<128xi32, #tpu.memory_space<vmem>>
      %dma_start3A_84 = arith.constant 0 : i32
      %dma_start3A_85 = arith.constant 0 : i32
      %dma_start3A_86 = tpu.memref_slice %arg15[%dma_start3A_84, %dma_start3A_85] : memref<640x16xf32, #tpu.memory_space<vmem_shared>> -> memref<640x16xf32, #tpu.memory_space<vmem_shared>>
      tpu.enqueue_indirect_dma source(%dma_start3A_80 : memref<128x16xf32, #tpu.memory_space<vmem>>) target(%dma_start3A_86 : memref<640x16xf32, #tpu.memory_space<vmem_shared>>) offsets(%dma_start3A_83 : memref<128xi32, #tpu.memory_space<vmem>>) semaphore(%run_scoped3A_77 : memref<!tpu.dma_semaphore, #tpu.memory_space<semaphore_mem>>) {add = true}
      %dma_wait3A_87 = arith.constant 0 : i32
      %dma_wait3A_88 = arith.constant 0 : i32
      %dma_wait3A_89 = tpu.memref_slice %arg12[%dma_wait3A_87, %dma_wait3A_88] : memref<640x16xf32, #tpu.memory_space<vmem>> -> memref<128x16xf32, #tpu.memory_space<vmem>>
      %dma_wait3A_90 = arith.constant 0 : i32
      %dma_wait3A_91 = tpu.memref_slice %arg13[%run_scoped3A_65, %dma_wait3A_90] : memref<5x128xi32, #tpu.memory_space<vmem>> -> memref<1x128xi32, #tpu.memory_space<vmem>>
      %dma_wait3A_92 = tpu.memref_squeeze %dma_wait3A_91 : memref<1x128xi32, #tpu.memory_space<vmem>> -> memref<128xi32, #tpu.memory_space<vmem>>
      %dma_wait3A_93 = arith.constant 0 : i32
      %dma_wait3A_94 = arith.constant 0 : i32
      %dma_wait3A_95 = tpu.memref_slice %arg15[%dma_wait3A_93, %dma_wait3A_94] : memref<640x16xf32, #tpu.memory_space<vmem_shared>> -> memref<640x16xf32, #tpu.memory_space<vmem_shared>>
      tpu.wait_indirect_dma semaphore(%run_scoped3A_77 : memref<!tpu.dma_semaphore, #tpu.memory_space<semaphore_mem>>) src(%dma_wait3A_89 : memref<128x16xf32, #tpu.memory_space<vmem>>) dst(%dma_wait3A_95 : memref<640x16xf32, #tpu.memory_space<vmem_shared>>)
      tpu.yield
    }) : () -> ()
    %run_scoped3A_66 = arith.constant 1 : i32
    "tpu.region"() ({
      %run_scoped3A_77 = tpu.sem_alloc : memref<!tpu.dma_semaphore, #tpu.memory_space<semaphore_mem>>
      %dma_start3A_78 = arith.constant 128 : i32
      %dma_start3A_79 = arith.constant 0 : i32
      %dma_start3A_80 = tpu.memref_slice %arg12[%dma_start3A_78, %dma_start3A_79] : memref<640x16xf32, #tpu.memory_space<vmem>> -> memref<128x16xf32, #tpu.memory_space<vmem>>
      %dma_start3A_81 = arith.constant 0 : i32
      %dma_start3A_82 = tpu.memref_slice %arg13[%run_scoped3A_66, %dma_start3A_81] : memref<5x128xi32, #tpu.memory_space<vmem>> -> memref<1x128xi32, #tpu.memory_space<vmem>>
      %dma_start3A_83 = tpu.memref_squeeze %dma_start3A_82 : memref<1x128xi32, #tpu.memory_space<vmem>> -> memref<128xi32, #tpu.memory_space<vmem>>
      %dma_start3A_84 = arith.constant 0 : i32
      %dma_start3A_85 = arith.constant 0 : i32
      %dma_start3A_86 = tpu.memref_slice %arg15[%dma_start3A_84, %dma_start3A_85] : memref<640x16xf32, #tpu.memory_space<vmem_shared>> -> memref<640x16xf32, #tpu.memory_space<vmem_shared>>
      tpu.enqueue_indirect_dma source(%dma_start3A_80 : memref<128x16xf32, #tpu.memory_space<vmem>>) target(%dma_start3A_86 : memref<640x16xf32, #tpu.memory_space<vmem_shared>>) offsets(%dma_start3A_83 : memref<128xi32, #tpu.memory_space<vmem>>) semaphore(%run_scoped3A_77 : memref<!tpu.dma_semaphore, #tpu.memory_space<semaphore_mem>>) {add = true}
      %dma_wait3A_87 = arith.constant 128 : i32
      %dma_wait3A_88 = arith.constant 0 : i32
      %dma_wait3A_89 = tpu.memref_slice %arg12[%dma_wait3A_87, %dma_wait3A_88] : memref<640x16xf32, #tpu.memory_space<vmem>> -> memref<128x16xf32, #tpu.memory_space<vmem>>
      %dma_wait3A_90 = arith.constant 0 : i32
      %dma_wait3A_91 = tpu.memref_slice %arg13[%run_scoped3A_66, %dma_wait3A_90] : memref<5x128xi32, #tpu.memory_space<vmem>> -> memref<1x128xi32, #tpu.memory_space<vmem>>
      %dma_wait3A_92 = tpu.memref_squeeze %dma_wait3A_91 : memref<1x128xi32, #tpu.memory_space<vmem>> -> memref<128xi32, #tpu.memory_space<vmem>>
      %dma_wait3A_93 = arith.constant 0 : i32
      %dma_wait3A_94 = arith.constant 0 : i32
      %dma_wait3A_95 = tpu.memref_slice %arg15[%dma_wait3A_93, %dma_wait3A_94] : memref<640x16xf32, #tpu.memory_space<vmem_shared>> -> memref<640x16xf32, #tpu.memory_space<vmem_shared>>
      tpu.wait_indirect_dma semaphore(%run_scoped3A_77 : memref<!tpu.dma_semaphore, #tpu.memory_space<semaphore_mem>>) src(%dma_wait3A_89 : memref<128x16xf32, #tpu.memory_space<vmem>>) dst(%dma_wait3A_95 : memref<640x16xf32, #tpu.memory_space<vmem_shared>>)
      tpu.yield
    }) : () -> ()
    %run_scoped3A_67 = arith.constant 2 : i32
    "tpu.region"() ({
      %run_scoped3A_77 = tpu.sem_alloc : memref<!tpu.dma_semaphore, #tpu.memory_space<semaphore_mem>>
      %dma_start3A_78 = arith.constant 256 : i32
      %dma_start3A_79 = arith.constant 0 : i32
      %dma_start3A_80 = tpu.memref_slice %arg12[%dma_start3A_78, %dma_start3A_79] : memref<640x16xf32, #tpu.memory_space<vmem>> -> memref<128x16xf32, #tpu.memory_space<vmem>>
      %dma_start3A_81 = arith.constant 0 : i32
      %dma_start3A_82 = tpu.memref_slice %arg13[%run_scoped3A_67, %dma_start3A_81] : memref<5x128xi32, #tpu.memory_space<vmem>> -> memref<1x128xi32, #tpu.memory_space<vmem>>
      %dma_start3A_83 = tpu.memref_squeeze %dma_start3A_82 : memref<1x128xi32, #tpu.memory_space<vmem>> -> memref<128xi32, #tpu.memory_space<vmem>>
      %dma_start3A_84 = arith.constant 0 : i32
      %dma_start3A_85 = arith.constant 0 : i32
      %dma_start3A_86 = tpu.memref_slice %arg15[%dma_start3A_84, %dma_start3A_85] : memref<640x16xf32, #tpu.memory_space<vmem_shared>> -> memref<640x16xf32, #tpu.memory_space<vmem_shared>>
      tpu.enqueue_indirect_dma source(%dma_start3A_80 : memref<128x16xf32, #tpu.memory_space<vmem>>) target(%dma_start3A_86 : memref<640x16xf32, #tpu.memory_space<vmem_shared>>) offsets(%dma_start3A_83 : memref<128xi32, #tpu.memory_space<vmem>>) semaphore(%run_scoped3A_77 : memref<!tpu.dma_semaphore, #tpu.memory_space<semaphore_mem>>) {add = true}
      %dma_wait3A_87 = arith.constant 256 : i32
      %dma_wait3A_88 = arith.constant 0 : i32
      %dma_wait3A_89 = tpu.memref_slice %arg12[%dma_wait3A_87, %dma_wait3A_88] : memref<640x16xf32, #tpu.memory_space<vmem>> -> memref<128x16xf32, #tpu.memory_space<vmem>>
      %dma_wait3A_90 = arith.constant 0 : i32
      %dma_wait3A_91 = tpu.memref_slice %arg13[%run_scoped3A_67, %dma_wait3A_90] : memref<5x128xi32, #tpu.memory_space<vmem>> -> memref<1x128xi32, #tpu.memory_space<vmem>>
      %dma_wait3A_92 = tpu.memref_squeeze %dma_wait3A_91 : memref<1x128xi32, #tpu.memory_space<vmem>> -> memref<128xi32, #tpu.memory_space<vmem>>
      %dma_wait3A_93 = arith.constant 0 : i32
      %dma_wait3A_94 = arith.constant 0 : i32
      %dma_wait3A_95 = tpu.memref_slice %arg15[%dma_wait3A_93, %dma_wait3A_94] : memref<640x16xf32, #tpu.memory_space<vmem_shared>> -> memref<640x16xf32, #tpu.memory_space<vmem_shared>>
      tpu.wait_indirect_dma semaphore(%run_scoped3A_77 : memref<!tpu.dma_semaphore, #tpu.memory_space<semaphore_mem>>) src(%dma_wait3A_89 : memref<128x16xf32, #tpu.memory_space<vmem>>) dst(%dma_wait3A_95 : memref<640x16xf32, #tpu.memory_space<vmem_shared>>)
      tpu.yield
    }) : () -> ()
    %run_scoped3A_68 = arith.constant 3 : i32
    "tpu.region"() ({
      %run_scoped3A_77 = tpu.sem_alloc : memref<!tpu.dma_semaphore, #tpu.memory_space<semaphore_mem>>
      %dma_start3A_78 = arith.constant 384 : i32
      %dma_start3A_79 = arith.constant 0 : i32
      %dma_start3A_80 = tpu.memref_slice %arg12[%dma_start3A_78, %dma_start3A_79] : memref<640x16xf32, #tpu.memory_space<vmem>> -> memref<128x16xf32, #tpu.memory_space<vmem>>
      %dma_start3A_81 = arith.constant 0 : i32
      %dma_start3A_82 = tpu.memref_slice %arg13[%run_scoped3A_68, %dma_start3A_81] : memref<5x128xi32, #tpu.memory_space<vmem>> -> memref<1x128xi32, #tpu.memory_space<vmem>>
      %dma_start3A_83 = tpu.memref_squeeze %dma_start3A_82 : memref<1x128xi32, #tpu.memory_space<vmem>> -> memref<128xi32, #tpu.memory_space<vmem>>
      %dma_start3A_84 = arith.constant 0 : i32
      %dma_start3A_85 = arith.constant 0 : i32
      %dma_start3A_86 = tpu.memref_slice %arg15[%dma_start3A_84, %dma_start3A_85] : memref<640x16xf32, #tpu.memory_space<vmem_shared>> -> memref<640x16xf32, #tpu.memory_space<vmem_shared>>
      tpu.enqueue_indirect_dma source(%dma_start3A_80 : memref<128x16xf32, #tpu.memory_space<vmem>>) target(%dma_start3A_86 : memref<640x16xf32, #tpu.memory_space<vmem_shared>>) offsets(%dma_start3A_83 : memref<128xi32, #tpu.memory_space<vmem>>) semaphore(%run_scoped3A_77 : memref<!tpu.dma_semaphore, #tpu.memory_space<semaphore_mem>>) {add = true}
      %dma_wait3A_87 = arith.constant 384 : i32
      %dma_wait3A_88 = arith.constant 0 : i32
      %dma_wait3A_89 = tpu.memref_slice %arg12[%dma_wait3A_87, %dma_wait3A_88] : memref<640x16xf32, #tpu.memory_space<vmem>> -> memref<128x16xf32, #tpu.memory_space<vmem>>
      %dma_wait3A_90 = arith.constant 0 : i32
      %dma_wait3A_91 = tpu.memref_slice %arg13[%run_scoped3A_68, %dma_wait3A_90] : memref<5x128xi32, #tpu.memory_space<vmem>> -> memref<1x128xi32, #tpu.memory_space<vmem>>
      %dma_wait3A_92 = tpu.memref_squeeze %dma_wait3A_91 : memref<1x128xi32, #tpu.memory_space<vmem>> -> memref<128xi32, #tpu.memory_space<vmem>>
      %dma_wait3A_93 = arith.constant 0 : i32
      %dma_wait3A_94 = arith.constant 0 : i32
      %dma_wait3A_95 = tpu.memref_slice %arg15[%dma_wait3A_93, %dma_wait3A_94] : memref<640x16xf32, #tpu.memory_space<vmem_shared>> -> memref<640x16xf32, #tpu.memory_space<vmem_shared>>
      tpu.wait_indirect_dma semaphore(%run_scoped3A_77 : memref<!tpu.dma_semaphore, #tpu.memory_space<semaphore_mem>>) src(%dma_wait3A_89 : memref<128x16xf32, #tpu.memory_space<vmem>>) dst(%dma_wait3A_95 : memref<640x16xf32, #tpu.memory_space<vmem_shared>>)
      tpu.yield
    }) : () -> ()
    %run_scoped3A_69 = arith.constant 4 : i32
    "tpu.region"() ({
      %run_scoped3A_77 = tpu.sem_alloc : memref<!tpu.dma_semaphore, #tpu.memory_space<semaphore_mem>>
      %dma_start3A_78 = arith.constant 512 : i32
      %dma_start3A_79 = arith.constant 0 : i32
      %dma_start3A_80 = tpu.memref_slice %arg12[%dma_start3A_78, %dma_start3A_79] : memref<640x16xf32, #tpu.memory_space<vmem>> -> memref<128x16xf32, #tpu.memory_space<vmem>>
      %dma_start3A_81 = arith.constant 0 : i32
      %dma_start3A_82 = tpu.memref_slice %arg13[%run_scoped3A_69, %dma_start3A_81] : memref<5x128xi32, #tpu.memory_space<vmem>> -> memref<1x128xi32, #tpu.memory_space<vmem>>
      %dma_start3A_83 = tpu.memref_squeeze %dma_start3A_82 : memref<1x128xi32, #tpu.memory_space<vmem>> -> memref<128xi32, #tpu.memory_space<vmem>>
      %dma_start3A_84 = arith.constant 0 : i32
      %dma_start3A_85 = arith.constant 0 : i32
      %dma_start3A_86 = tpu.memref_slice %arg15[%dma_start3A_84, %dma_start3A_85] : memref<640x16xf32, #tpu.memory_space<vmem_shared>> -> memref<640x16xf32, #tpu.memory_space<vmem_shared>>
      tpu.enqueue_indirect_dma source(%dma_start3A_80 : memref<128x16xf32, #tpu.memory_space<vmem>>) target(%dma_start3A_86 : memref<640x16xf32, #tpu.memory_space<vmem_shared>>) offsets(%dma_start3A_83 : memref<128xi32, #tpu.memory_space<vmem>>) semaphore(%run_scoped3A_77 : memref<!tpu.dma_semaphore, #tpu.memory_space<semaphore_mem>>) {add = true}
      %dma_wait3A_87 = arith.constant 512 : i32
      %dma_wait3A_88 = arith.constant 0 : i32
      %dma_wait3A_89 = tpu.memref_slice %arg12[%dma_wait3A_87, %dma_wait3A_88] : memref<640x16xf32, #tpu.memory_space<vmem>> -> memref<128x16xf32, #tpu.memory_space<vmem>>
      %dma_wait3A_90 = arith.constant 0 : i32
      %dma_wait3A_91 = tpu.memref_slice %arg13[%run_scoped3A_69, %dma_wait3A_90] : memref<5x128xi32, #tpu.memory_space<vmem>> -> memref<1x128xi32, #tpu.memory_space<vmem>>
      %dma_wait3A_92 = tpu.memref_squeeze %dma_wait3A_91 : memref<1x128xi32, #tpu.memory_space<vmem>> -> memref<128xi32, #tpu.memory_space<vmem>>
      %dma_wait3A_93 = arith.constant 0 : i32
      %dma_wait3A_94 = arith.constant 0 : i32
      %dma_wait3A_95 = tpu.memref_slice %arg15[%dma_wait3A_93, %dma_wait3A_94] : memref<640x16xf32, #tpu.memory_space<vmem_shared>> -> memref<640x16xf32, #tpu.memory_space<vmem_shared>>
      tpu.wait_indirect_dma semaphore(%run_scoped3A_77 : memref<!tpu.dma_semaphore, #tpu.memory_space<semaphore_mem>>) src(%dma_wait3A_89 : memref<128x16xf32, #tpu.memory_space<vmem>>) dst(%dma_wait3A_95 : memref<640x16xf32, #tpu.memory_space<vmem_shared>>)
      tpu.yield
    }) : () -> ()
    %barrier3A_70 = arith.constant 0 : index
    tpu.barrier barrier_id(%barrier3A_70)
    %mul3A_71 = arith.constant 640 : i32
    %mul3A_72 = arith.muli %arg1, %mul3A_71 : i32
    "tpu.region"() ({
      %run_scoped3A_77 = tpu.sem_alloc : memref<!tpu.dma_semaphore, #tpu.memory_space<semaphore_mem>>
      %dma_start3A_78 = arith.constant 0 : i32
      %dma_start3A_79 = tpu.memref_slice %arg7[%arg0, %mul3A_72, %dma_start3A_78] : memref<2x10240x64xf32, #tpu.memory_space<hbm>> -> memref<1x640x64xf32, #tpu.memory_space<hbm>>
      %dma_start3A_80 = tpu.memref_squeeze %dma_start3A_79 : memref<1x640x64xf32, #tpu.memory_space<hbm>> -> memref<640x64xf32, #tpu.memory_space<hbm>>
      %dma_start3A_81 = arith.constant 0 : i32
      %dma_start3A_82 = tpu.memref_slice %arg14[%mul3A_72, %dma_start3A_81] : memref<10240x64xf32, #tpu.memory_space<vmem_shared>> -> memref<640x64xf32, #tpu.memory_space<vmem_shared>>
      tpu.enqueue_dma source(%dma_start3A_82 : memref<640x64xf32, #tpu.memory_space<vmem_shared>>) target(%dma_start3A_80 : memref<640x64xf32, #tpu.memory_space<hbm>>) target_semaphore(%run_scoped3A_77 : memref<!tpu.dma_semaphore, #tpu.memory_space<semaphore_mem>>)
      %dma_wait3A_83 = arith.constant 0 : i32
      %dma_wait3A_84 = tpu.memref_slice %arg7[%arg0, %mul3A_72, %dma_wait3A_83] : memref<2x10240x64xf32, #tpu.memory_space<hbm>> -> memref<1x640x64xf32, #tpu.memory_space<hbm>>
      %dma_wait3A_85 = tpu.memref_squeeze %dma_wait3A_84 : memref<1x640x64xf32, #tpu.memory_space<hbm>> -> memref<640x64xf32, #tpu.memory_space<hbm>>
      %dma_wait3A_86 = arith.constant 0 : i32
      %dma_wait3A_87 = tpu.memref_slice %arg14[%mul3A_72, %dma_wait3A_86] : memref<10240x64xf32, #tpu.memory_space<vmem_shared>> -> memref<640x64xf32, #tpu.memory_space<vmem_shared>>
      tpu.wait_dma2 semaphore(%run_scoped3A_77 : memref<!tpu.dma_semaphore, #tpu.memory_space<semaphore_mem>>) src(%dma_wait3A_87 : memref<640x64xf32, #tpu.memory_space<vmem_shared>>) dst(%dma_wait3A_85 : memref<640x64xf32, #tpu.memory_space<hbm>>)
      tpu.yield
    }) : () -> ()
    %eq3A = arith.constant 0 : i32
    %eq3A_73 = arith.cmpi eq, %arg0, %eq3A : i32
    %eq3A_74 = arith.constant 0 : i32
    %eq3A_75 = arith.cmpi eq, %arg1, %eq3A_74 : i32
    %and3A = arith.andi %eq3A_73, %eq3A_75 : i1
    %convert_element_type3A = arith.extui %and3A : i1 to i32
    %cond3A = arith.constant 0 : i32
    %cond3A_76 = arith.cmpi ne, %convert_element_type3A, %cond3A : i32
    scf.if %cond3A_76 {
      "tpu.region"() ({
        %run_scoped3A_77 = tpu.sem_alloc : memref<!tpu.dma_semaphore, #tpu.memory_space<semaphore_mem>>
        tpu.enqueue_dma source(%arg15 : memref<640x16xf32, #tpu.memory_space<vmem_shared>>) target(%arg8 : memref<640x16xf32, #tpu.memory_space<hbm>>) target_semaphore(%run_scoped3A_77 : memref<!tpu.dma_semaphore, #tpu.memory_space<semaphore_mem>>)
        tpu.wait_dma2 semaphore(%run_scoped3A_77 : memref<!tpu.dma_semaphore, #tpu.memory_space<semaphore_mem>>) src(%arg15 : memref<640x16xf32, #tpu.memory_space<vmem_shared>>) dst(%arg8 : memref<640x16xf32, #tpu.memory_space<hbm>>)
        tpu.yield
      }) : () -> ()
    } else {
    }
    return
  }
}

module attributes {stable_mosaic.version = 14 : i64} {
  func.func @_finish_body(%arg0: i32, %arg1: memref<2x1000x128xf32, #tpu.memory_space<vmem>>, %arg2: memref<1000x2xf32, #tpu.memory_space<vmem>>, %arg3: memref<128x128xf32, #tpu.memory_space<vmem>>, %arg4: memref<1x128xf32, #tpu.memory_space<vmem>>, %arg5: memref<2000x128xf32, #tpu.memory_space<vmem>>) attributes {dimension_semantics = [#tpu.dimension_semantics<arbitrary>], iteration_bounds = array<i64: 5>, scalar_prefetch = 0 : i64, scratch_operands = 0 : i64, tpu.core_type = #tpu.core_type<tc>, window_params = [{transform_indices = @transform_0, window_bounds = array<i64: 2, 1000, 128>}, {transform_indices = @transform_1, window_bounds = array<i64: 1000, 2>}, {pipeline_mode = #tpu.pipeline_mode<synchronous>, transform_indices = @transform_2, window_bounds = array<i64: 128, 128>}, {pipeline_mode = #tpu.pipeline_mode<synchronous>, transform_indices = @transform_3, window_bounds = array<i64: 1, 128>}, {transform_indices = @transform_4, window_bounds = array<i64: 2000, 128>}]} {
    %get3A = arith.constant 0 : index
    %get3A_0 = arith.constant 0 : index
    %get3A_1 = arith.constant 0 : index
    %get3A_2 = vector.load %arg1[%get3A, %get3A_0, %get3A_1] : memref<2x1000x128xf32, #tpu.memory_space<vmem>>, vector<1x1000x128xf32>
    %get3A_3 = vector.shape_cast %get3A_2 : vector<1x1000x128xf32> to vector<1000x128xf32>
    %get3A_4 = arith.constant 1 : index
    %get3A_5 = arith.constant 0 : index
    %get3A_6 = arith.constant 0 : index
    %get3A_7 = vector.load %arg1[%get3A_4, %get3A_5, %get3A_6] : memref<2x1000x128xf32, #tpu.memory_space<vmem>>, vector<1x1000x128xf32>
    %get3A_8 = vector.shape_cast %get3A_7 : vector<1x1000x128xf32> to vector<1000x128xf32>
    %slice3A = vector.extract_strided_slice %get3A_3 {offsets = [0, 0], sizes = [1000, 64], strides = [1, 1]} : vector<1000x128xf32> to vector<1000x64xf32>
    %slice3A_9 = vector.extract_strided_slice %get3A_8 {offsets = [0, 0], sizes = [1000, 64], strides = [1, 1]} : vector<1000x128xf32> to vector<1000x64xf32>
    %concatenate3A = tpu.concatenate %slice3A, %slice3A_9 in 1 : vector<1000x64xf32>, vector<1000x64xf32> -> vector<1000x128xf32>
    %slice3A_10 = vector.extract_strided_slice %get3A_3 {offsets = [0, 64], sizes = [1000, 64], strides = [1, 1]} : vector<1000x128xf32> to vector<1000x64xf32>
    %slice3A_11 = vector.extract_strided_slice %get3A_8 {offsets = [0, 64], sizes = [1000, 64], strides = [1, 1]} : vector<1000x128xf32> to vector<1000x64xf32>
    %concatenate3A_12 = tpu.concatenate %slice3A_10, %slice3A_11 in 1 : vector<1000x64xf32>, vector<1000x64xf32> -> vector<1000x128xf32>
    %get3A_13 = arith.constant 0 : index
    %get3A_14 = arith.constant 0 : index
    %get3A_15 = vector.load %arg2[%get3A_13, %get3A_14] : memref<1000x2xf32, #tpu.memory_space<vmem>>, vector<1000x2xf32>
    %max3A = arith.constant 1.000000e+00 : f32
    %max3A_16 = vector.broadcast %max3A : f32 to vector<1000x2xf32>
    %max3A_17 = arith.maximumf %get3A_15, %max3A_16 : vector<1000x2xf32>
    %div3A = arith.constant 1.000000e+00 : f32
    %div3A_18 = vector.broadcast %div3A : f32 to vector<1000x2xf32>
    %div3A_19 = arith.divf %div3A_18, %max3A_17 : vector<1000x2xf32>
    %get3A_20 = arith.constant 0 : index
    %get3A_21 = arith.constant 0 : index
    %get3A_22 = vector.load %arg3[%get3A_20, %get3A_21] : memref<128x128xf32, #tpu.memory_space<vmem>>, vector<128x128xf32>
    %dot_general3A = arith.constant dense<0.000000e+00> : vector<1000x128xf32>
    %dot_general3A_23 = tpu.matmul %concatenate3A, %get3A_22, %dot_general3A {dimension_numbers = #tpu.dot_dimension_numbers<[1], [1], [0], [0], [0, 0, 1, 0], [], []>, transpose_lhs_hint = false} : vector<1000x128xf32>, vector<128x128xf32>, vector<1000x128xf32> -> vector<1000x128xf32>
    %slice3A_24 = vector.extract_strided_slice %div3A_19 {offsets = [0, 0], sizes = [1000, 1], strides = [1, 1]} : vector<1000x2xf32> to vector<1000x1xf32>
    %mul3A = vector.broadcast %slice3A_24 : vector<1000x1xf32> to vector<1000x128xf32>
    %mul3A_25 = arith.mulf %dot_general3A_23, %mul3A : vector<1000x128xf32>
    %get3A_26 = arith.constant 0 : index
    %get3A_27 = arith.constant 0 : index
    %get3A_28 = vector.load %arg4[%get3A_26, %get3A_27] : memref<1x128xf32, #tpu.memory_space<vmem>>, vector<1x128xf32>
    %add3A = vector.broadcast %get3A_28 : vector<1x128xf32> to vector<1000x128xf32>
    %add3A_29 = arith.addf %mul3A_25, %add3A : vector<1000x128xf32>
    %add3A_30 = arith.constant 0.00999999977 : f32
    %add3A_31 = vector.broadcast %add3A_30 : f32 to vector<1000x128xf32>
    %add3A_32 = arith.addf %add3A_29, %add3A_31 : vector<1000x128xf32>
    %dot_general3A_33 = arith.constant dense<0.000000e+00> : vector<1000x128xf32>
    %dot_general3A_34 = tpu.matmul %concatenate3A_12, %get3A_22, %dot_general3A_33 {dimension_numbers = #tpu.dot_dimension_numbers<[1], [1], [0], [0], [0, 0, 1, 0], [], []>, transpose_lhs_hint = false} : vector<1000x128xf32>, vector<128x128xf32>, vector<1000x128xf32> -> vector<1000x128xf32>
    %slice3A_35 = vector.extract_strided_slice %div3A_19 {offsets = [0, 1], sizes = [1000, 1], strides = [1, 1]} : vector<1000x2xf32> to vector<1000x1xf32>
    %mul3A_36 = vector.broadcast %slice3A_35 : vector<1000x1xf32> to vector<1000x128xf32>
    %mul3A_37 = arith.mulf %dot_general3A_34, %mul3A_36 : vector<1000x128xf32>
    %get3A_38 = arith.constant 0 : index
    %get3A_39 = arith.constant 0 : index
    %get3A_40 = vector.load %arg4[%get3A_38, %get3A_39] : memref<1x128xf32, #tpu.memory_space<vmem>>, vector<1x128xf32>
    %add3A_41 = vector.broadcast %get3A_40 : vector<1x128xf32> to vector<1000x128xf32>
    %add3A_42 = arith.addf %mul3A_37, %add3A_41 : vector<1000x128xf32>
    %add3A_43 = arith.constant 0.00999999977 : f32
    %add3A_44 = vector.broadcast %add3A_43 : f32 to vector<1000x128xf32>
    %add3A_45 = arith.addf %add3A_42, %add3A_44 : vector<1000x128xf32>
    %broadcast_in_dim3A = vector.shape_cast %add3A_32 : vector<1000x128xf32> to vector<1000x1x128xf32>
    %broadcast_in_dim3A_46 = vector.shape_cast %add3A_45 : vector<1000x128xf32> to vector<1000x1x128xf32>
    %concatenate3A_47 = tpu.concatenate %broadcast_in_dim3A, %broadcast_in_dim3A_46 in 1 : vector<1000x1x128xf32>, vector<1000x1x128xf32> -> vector<1000x2x128xf32>
    %reshape3A = vector.shape_cast %concatenate3A_47 : vector<1000x2x128xf32> to vector<2000x128xf32>
    %swap3A = arith.constant 0 : index
    %swap3A_48 = arith.constant 0 : index
    %swap3A_49 = vector.load %arg5[%swap3A, %swap3A_48] : memref<2000x128xf32, #tpu.memory_space<vmem>>, vector<2000x128xf32>
    tpu.vector_store %arg5[%swap3A, %swap3A_48], %reshape3A {strides = array<i32>} : memref<2000x128xf32, #tpu.memory_space<vmem>>, vector<2000x128xf32>,
    return
  }
  func.func @transform_0(%arg0: i32) -> (i32, i32, i32) {
    %c0_i32 = arith.constant 0 : i32
    %c0_i32_0 = arith.constant 0 : i32
    %c0_i32_1 = arith.constant 0 : i32
    return %c0_i32, %arg0, %c0_i32_0 : i32, i32, i32
  }
  func.func @transform_1(%arg0: i32) -> (i32, i32) {
    %c0_i32 = arith.constant 0 : i32
    %c0_i32_0 = arith.constant 0 : i32
    return %arg0, %c0_i32 : i32, i32
  }
  func.func @transform_2(%arg0: i32) -> (i32, i32) {
    %c0_i32 = arith.constant 0 : i32
    %c0_i32_0 = arith.constant 0 : i32
    %c0_i32_1 = arith.constant 0 : i32
    return %c0_i32, %c0_i32_0 : i32, i32
  }
  func.func @transform_3(%arg0: i32) -> (i32, i32) {
    %c0_i32 = arith.constant 0 : i32
    %c0_i32_0 = arith.constant 0 : i32
    %c0_i32_1 = arith.constant 0 : i32
    return %c0_i32, %c0_i32_0 : i32, i32
  }
  func.func @transform_4(%arg0: i32) -> (i32, i32) {
    %c0_i32 = arith.constant 0 : i32
    %c0_i32_0 = arith.constant 0 : i32
    return %arg0, %c0_i32 : i32, i32
  }
}

</mosaic_0001>

<sc_bundles>
// kernel: kernel.4.cloned.1.call-start
scs
__scs_entry_jumppad:
0x0: {  	(pc) =	sbr.rel $0x88, $3  }
0x1: {  	(tag) =	ssettag $0x0;
	lr =	simm.s32 $0x1  }
0x2: {  	[smem:$0x3F9D] =	sst lr;
	_ =	strace $0xD0000000  }
0x3: {  	_ = 	snop  }
0x4: {  	_ = 	snop  }
0x5: {  	_ = 	snop  }
0x6: {  	_ = 	snop  }
0x7: {  	_ = 	snop  }
__scs_overlays_trampoline_lowered:
0x8: {  	[smem:$0x3FAC] =	sst s0  }
0x9: {  	[smem:$0x3FAD] =	sst s1  }
0xa: {  	[smem:$0x3FAE] =	sst s2  }
0xb: {  	[smem:$0x3FAF] =	sst s3  }
0xc: {  	[smem:$0x3FB0] =	sst s4  }
0xd: {  	[smem:$0x3FB1] =	sst s5  }
0xe: {  	[smem:$0x3FB2] =	sst s6  }
0xf: {  	[smem:$0x3FB3] =	sst s7  }
0x10: {  	[smem:$0x3FB4] =	sst s8  }
0x11: {  	[smem:$0x3FB5] =	sst s9;
	s0 =	simm.s32 @!p0 $0x0  }
0x12: {  	s1 =	sld [smem:$0x3F9B];
	s0 =	simm.s32 @p0 $0x1  }
0x13: {  	[smem:$0x3FB6] =	sst s0;
	s0 =	simm.s32 @!p1 $0x0  }
0x14: {  	s2 =	sld [smem:$0x3F9A];
	s0 =	simm.s32 @p1 $0x1  }
0x15: {  	[smem:$0x3FB7] =	sst s0;
	s0 =	simm.s32 @!p2 $0x0  }
0x16: {  	s3 =	sld [smem:$0x3FDB];
	s0 =	simm.s32 @p2 $0x1  }
0x17: {  	s4 =	simm.s32 $0x1BF5;
	[smem:$0x3FB9] =	sst s0  }
0x18: {  	s0 =	sld [smem:$0x3F9C];
	_ =	swait.ge [sflag:s4], $0x0  }
0x19: {  	s7 =	sld [smem:$0x3F9D]  }
0x1a: {  	s8 =	sadd.s32 $0xFFFFE003, lr  }
0x1b: {  	s9 =	sadd.s32 $0xFFFFFEF7, lr;
	s5 =	simm.s32 $0xFFFFFFFF;
	p2 =	slt.u32 s8, $0xFFFFF086  }
0x1c: {  	p1 =	slt.u32 s9, $0xF7A;
	s5 =	simm.s32 @!p2 $0x0  }
0x1d: {  	s5 =	simm.s32 @p1 $0x1;
	p0 =	seq.s32 s7, s2  }
0x1e: {  	s7 =	smul.u32 @!p0 $0xF7A, s2;
	p2 =	seq.s32 @!p0 s5, $0x0  }
0x1f: {  	s9 =	smul.u32 $0xF7A, s1;
	s8 =	simm.s32 @!p0 $0x1BF5;
	p2 =	por !p2, p0  }
0x20: {  	[sflag:s8] =	ssyncset.s32 @!p0 $0xFFFFF086;
	s6 =	sadd.s32 @!p0 s3, s7;
	s7 =	simm.s32 @!p0 $0x108  }
0x21: {  	s3 =	sadd.s32 s3, s9;
	s6 =	sadd.s32 @!p0 $0x88, s6;
	s7 =	simm.s32 @p2 $0x1082  }
0x22: {  	[simem:s7], [sflag:s8] =	dma.local @!p0 [hbm:s6], $0xF7A  }
0x23: {  	s9 =	sor.u32 $0xD0000000, s2;
	s6 =	simm.s32 $0x108;
	_ =	swait.ge @!p0 [sflag:s8], $0x0  }
0x24: {  	s3 =	sadd.s32 $0x88, s3;
	s6 =	simm.s32 @!p1 $0x1082;
	[sflag:s4] =	ssyncset.s32 $0xFFFFF086  }
0x25: {  	[simem:s6], [sflag:s4] =	dma.local [hbm:s3], $0xF7A  }
0x26: {  	[smem:$0x3F9D] =	sst s1;
	(tag) =	ssettag s2;
	_ =	strace s9  }
0x27: {  	s1 =	sld [smem:$0x3FAD]  }
0x28: {  	s2 =	sld [smem:$0x3FAE]  }
0x29: {  	s4 =	sld [smem:$0x3FB0]  }
0x2a: {  	p0 =	seq.s32 s5, $0x0;
	s5 =	sld [smem:$0x3FB1]  }
0x2b: {  	s6 =	sld [smem:$0x3FB2]  }
0x2c: {  	s7 =	sld [smem:$0x3FB3]  }
0x2d: {  	s3 =	simm.s32 $0x108;
	s8 =	sld [smem:$0x3FB4]  }
0x2e: {  	s3 =	simm.s32 @!p0 $0x1082;
	s9 =	sld [smem:$0x3FB5]  }
0x2f: {  	lr =	sadd.s32 s0, s3;
	s0 =	sld [smem:$0x3FAC]  }
0x30: {  	s3 =	sld [smem:$0x3FAF]  }
0x31: {  	[smem:$0x3FB8] =	sst s10  }
0x32: {  	s10 =	sld [smem:$0x3FB6];
	_ =	sdelay $0x3  }
0x33: {  	p0 =	seq.s32 s10, $0x1;
	s10 =	sld [smem:$0x3FB8];
	_ =	sdelay $0x3  }
0x34: {  	[smem:$0x3FB8] =	sst s10  }
0x35: {  	s10 =	sld [smem:$0x3FB7];
	_ =	sdelay $0x3  }
0x36: {  	p1 =	seq.s32 s10, $0x1;
	s10 =	sld [smem:$0x3FB8];
	_ =	sdelay $0x3  }
0x37: {  	[smem:$0x3FB8] =	sst s10  }
0x38: {  	s10 =	sld [smem:$0x3FB9]  }
0x39: {  	_ = 	snop;
	(pc) =	sbr.ind lr, $3  }
0x3a: {  	_ = 	snop  }
0x3b: {  	_ = 	snop  }
0x3c: {  	p2 =	seq.s32 s10, $0x1;
	s10 =	sld [smem:$0x3FB8]  }
0x3d: {  	_ =	shalt  }
0x3e: {  	_ =	shalt  }
0x3f: {  	_ =	shalt  }
0x40: {  	_ =	shalt  }
0x41: {  	_ =	shalt  }
0x42: {  	_ =	shalt  }
0x43: {  	_ =	shalt  }
0x44: {  	_ =	shalt  }
0x45: {  	_ =	shalt  }
0x46: {  	_ =	shalt  }
0x47: {  	_ =	shalt  }
0x48: {  	_ =	shalt  }
0x49: {  	_ =	shalt  }
0x4a: {  	_ =	shalt  }
0x4b: {  	_ =	shalt  }
0x4c: {  	_ =	shalt  }
0x4d: {  	_ =	shalt  }
0x4e: {  	_ =	shalt  }
0x4f: {  	_ =	shalt  }
0x50: {  	_ =	shalt  }
0x51: {  	_ =	shalt  }
0x52: {  	_ =	shalt  }
0x53: {  	_ =	shalt  }
0x54: {  	_ =	shalt  }
0x55: {  	_ =	shalt  }
0x56: {  	_ =	shalt  }
0x57: {  	_ =	shalt  }
0x58: {  	_ =	shalt  }
0x59: {  	_ =	shalt  }
0x5a: {  	_ =	shalt  }
0x5b: {  	_ =	shalt  }
0x5c: {  	_ =	shalt  }
0x5d: {  	_ =	shalt  }
0x5e: {  	_ =	shalt  }
0x5f: {  	_ =	shalt  }
0x60: {  	_ =	shalt  }
0x61: {  	_ =	shalt  }
0x62: {  	_ =	shalt  }
0x63: {  	_ =	shalt  }
0x64: {  	_ =	shalt  }
0x65: {  	_ =	shalt  }
0x66: {  	_ =	shalt  }
0x67: {  	_ =	shalt  }
0x68: {  	_ =	shalt  }
0x69: {  	_ =	shalt  }
0x6a: {  	_ =	shalt  }
0x6b: {  	_ =	shalt  }
0x6c: {  	_ =	shalt  }
0x6d: {  	_ =	shalt  }
0x6e: {  	_ =	shalt  }
0x6f: {  	_ =	shalt  }
0x70: {  	_ =	shalt  }
0x71: {  	_ =	shalt  }
0x72: {  	_ =	shalt  }
0x73: {  	_ =	shalt  }
0x74: {  	_ =	shalt  }
0x75: {  	_ =	shalt  }
0x76: {  	_ =	shalt  }
0x77: {  	_ =	shalt  }
0x78: {  	_ =	shalt  }
0x79: {  	_ =	shalt  }
0x7a: {  	_ =	shalt  }
0x7b: {  	_ =	shalt  }
0x7c: {  	_ =	shalt  }
0x7d: {  	_ =	shalt  }
0x7e: {  	_ =	shalt  }
0x7f: {  	_ =	shalt  }
0x80: {  	_ =	shalt  }
0x81: {  	_ =	shalt  }
0x82: {  	_ =	shalt  }
0x83: {  	_ =	shalt  }
0x84: {  	_ =	shalt  }
0x85: {  	_ =	shalt  }
0x86: {  	_ =	shalt  }
0x87: {  	_ =	shalt  }
.Lfunc_end0:
.L_simem_size_0:
called_computation_lowered:
.L_overlay_start_0:
0x88: {  	s2 =	sld [smem:$0x3FD9]  }
0x89: {  	s3 =	sld [smem:$0x3FFE];
	_ =	sdelay $0x1  }
0x8a: {  	s1 =	srdreg.scid  }
0x8b: {  	s0 =	sand.u32 $0x1, s1  }
0x8c: {  	s17 =	sshll.u32 s0, $0xA;
	s2 =	sadd.s32 s3, s2  }
0x8d: {  	s2 =	sadd.s32 s2, s17  }
0x8e: {  	[smem:$0x3FC4] =	sst s2  }
0x8f: {  	_ = 	snop  }
0x90: {  	s2 =	sld [smem:$0x3FC9]  }
0x91: {  	s18 =	sld [smem:$0x3FD0];
	(tm) =	ssettm $0x1  }
0x92: {  	s4 =	sld [smem:$0x3FFB];
	_ =	sdelay $0x3  }
0x93: {  	_ =	strace s4  }
0x94: {  	s4 =	sld [smem:$0x3FFC];
	_ =	sdelay $0x3  }
0x95: {  	_ =	strace s4  }
0x96: {  	s4 =	sld [smem:$0x3FFD];
	_ =	sdelay $0x3  }
0x97: {  	_ =	strace s4  }
0x98: {  	_ =	strace $0x8FFFFFFF  }
0x99: {  	s19 =	sld [smem:$0x3FDB];
	_ =	sdelay $0x1  }
0x9a: {  	s5 =	simm.s32 $_scs_section_size  }
0x9b: {  	s6 =	simm.s32 $_size__tile_overlayer_lowered;
	s7 =	simm.s32 $_tile_overlayer_lowered  }
0x9c: {  	s22 =	simm.s32 $0x1BFF;
	s21 =	sshll.u32 s7, $0x1;
	s4 =	sadd.s32 s5, s19  }
0x9d: {  	s8 =	simm.s32 $0x0;
	s20 =	sshll.u32 s6, $0x1;
	s6 =	sadd.s32 s21, s4  }
0x9e: {  	[timem:s8], [sflag:s22] =	dma.local [hbm:s6], s20  }
0x9f: {  	_ =	swait.ge [sflag:s22], s20  }
0xa0: {  	s5 =	ssub.s32 $0x0, s20;
	[sflag:s22] =	ssyncset.done $0x0  }
0xa1: {  	[sflag:s22] =	ssyncadd.s32 s5;
	_ =	sdelay $0x1  }
0xa2: {  	s23 =	simm.s32 $0x1B8B  }
0xa3: {  	_ =	swait.ge [sflag:s23], $0x1  }
0xa4: {  	[sflag:s23] =	ssyncset.done $0x0  }
0xa5: {  	s25 =	simm.s32 $0x1B8E;
	s24 =	sld [smem:$0x3FFE];
	[sflag:s23] =	ssyncadd.s32 $0xFFFFFFFF  }
0xa6: {  	s26 =	simm.s32 $execute0_lowered;
	[smem:$0x3FD2] =	sst s25  }
0xa7: {  	s6 =	sshll.u32 s26, $0x1;
	_ =	strace $0x80000046;
	[dreg:$0x1] =	wrdreg $0xFFFFFFFF  }
0xa8: {  	s28 =	simm.s32 $_size_execute0_lowered;
	s4 =	sadd.s32 s4, s6;
	[dreg:$0x0] =	wrdreg $0x0  }
0xa9: {  	s6 =	sshll.u32 s28, $0x1;
	[dreg:$0x2] =	wrdreg s4  }
0xaa: {  	[dreg:$0x3] =	wrdreg s6  }
0xab: {  	[dreg:$0x4] =	wrdreg $0xC0  }
0xac: {  	_ =	task [dreg:s8], $0x5FFFF  }
0xad: {  	[dreg:$0x1] =	wrdreg $0xFFFFFFFF  }
0xae: {  	[dreg:$0x0] =	wrdreg $0x60  }
0xaf: {  	[dreg:$0x2] =	wrdreg s2  }
0xb0: {  	[dreg:$0x3] =	wrdreg s18  }
0xb1: {  	[dreg:$0x4] =	wrdreg s24  }
0xb2: {  	[dreg:$0x5] =	wrdreg $0x147800  }
0xb3: {  	[dreg:$0x6] =	wrdreg $0x1E7800  }
0xb4: {  	[dreg:$0x7] =	wrdreg $0x9  }
0xb5: {  	_ =	task.clear_ibuf [dreg:s8], $0x8FFFF;
	_ =	strace $0x90000046  }
0xb6: {  	s29 =	simm.s32 $0x9;
	_ =	strace $0x80000048  }
0xb7: {  	_ =	swait.ge [sflag:s29], $0x1  }
0xb8: {  	[sflag:s29] =	ssyncadd.s32 $0xFFFFFFFF  }
0xb9: {  	_ =	strace $0x90000048  }
0xba: {  	_ =	sfence  }
0xbb: {  	s30 =	sld [smem:$0x0];
	_ =	sdelay $0x2  }
0xbc: {  	s31 =	sshll.u32 s1, $0xD;
	s1 =	sshrl.u32 s1, $0x2  }
0xbd: {  	s3 =	sand.u32 $0x4000, s31;
	s1 =	sadd.s32 s1, s30  }
0xbe: {  	s0 =	sor.u32 s3, s0;
	s1 =	sshll.u32 s1, $0x11  }
0xbf: {  	s0 =	sor.u32 s1, s0  }
0xc0: {  	s0 =	sadd.s32 $0x8F2B, s0  }
0xc1: {  	[sflag:s0] =	ssyncadd.remote.s32 $0x1  }
0xc2: {  	_ =	sfence.sel $0xFFFF  }
0xc3: {  	[dreg:$0x0] =	wrdreg $0xFFFFFFFF;
	(pc) =	sbr.abs _section_cstart, $3  }
0xc4: {  	[dreg:$0x1] =	wrdreg $0xFFFFFFFF  }
0xc5: {  	_ =	task.clear_ibuf [dreg:s8], $0x2FFFF;
	_ =	strace $0x9FFFFFFF  }
0xc6: {  	(tm) =	ssettm $0x7FFFFFFF  }
0xc7: {  	_ =	shalt  }
tec
execute0_lowered:
.L_overlay_start_1:
0x0: {  	(tag) =	ssettag $0x1  }
0x1: {  	s0 =	rddreg [dreg:$0x0]  }
0x2: {  	s1 =	rddreg [dreg:$0x1]  }
0x3: {  	s5 =	rddreg [dreg:$0x2]  }
0x4: {  	s2 =	rddreg [dreg:$0x3];
	s4 =	srdreg.scid  }
0x5: {  	s16 =	stileid.u32;
	s3 =	rddreg [dreg:$0x4];
	s28 =	simm.s32 $0x1  }
0x6: {  	s29 =	simm.s32 $0xFDC0;
	s30 =	simm.s32 $0x2;
	s11 =	smul.u32 $0xA000, s16  }
0x7: {  	s31 =	simm.s32 $0x5;
	s13 =	sand.u32 $0x1, s4;
	s9 =	smul.u32 $0x5000, s16  }
0x8: {  	s4 =	simm.s32 $0x0;
	s7 =	sadd.s32 $0x1600, s5;
	s15 =	smul.u32 $0xA00, s16  }
0x9: {  	s19 =	sadd.s32 $0xE00, s5;
	s26 =	sshll.u32 s16, $0x6;
	s6 =	smul.u32 $0xA0000, s13  }
0xa: {  	[smem:$0x7FF] =	sst s4;
	s10 =	ssub.s32 $0x2, s13;
	s22 =	sshll.u32 s13, $0x3  }
0xb: {  	s25 =	sor.u32 s16, s13;
	s16 =	simm.s32 $0x14500;
	s17 =	sor.u32 $0x1C06, s26  }
0xc: {  	s26 =	simm.s32 $0xDE80;
	_ =	strace $0x80000047;
	[dreg:$0x6] =	wrdreg s7  }
0xd: {  	[dreg:$0x7] =	wrdreg s19;
	s14 =	sshrl.u32 s10, $0x1;
	s9 =	sshrl.u32 s9, $0x3  }
0xe: {  	s21 =	sshrl.u32 s15, $0x2;
	s23 =	sadd.s32 s11, s2;
	s19 =	simm.s32 $0x11D00  }
0xf: {  	p0 =	sne.s32 s25, $0x0;
	s15 =	simm.s32 $0x0;
	s18 =	sadd.s32 s11, s6  }
0x10: {  	s6 =	sadd.s32 $0x1000, s5;
	s20 =	ssub.s32 s10, s14;
	s9 =	sadd.s32 s1, s9  }
0x11: {  	s11 =	sadd.s32 s0, s22;
	s14 =	simm.s32 $0x6;
	s22 =	simm.s32 $0xA000  }
0x12: {  	s0 =	simm.s32 $0x4;
	s8 =	sshrl.u32 s18, $0x3;
	s1 =	sadd.s32 $0xA000, s9  }
.Ltmp0:
0x13: {  	s13 =	smax.u32 s20, $0x1;
	s18 =	sshrl.u32 s23, $0x3;
	(pc) =	sbr.rel .LBB2_1-.Ltmp0, $4  }
0x14: {  	s23 =	simm.s32 $0x80;
	s12 =	sadd.s32 s8, s5;
	s5 =	sadd.s32 $0x2A00, s5  }
0x15: {  	[dreg:$0x9] =	wrdreg s1;
	s1 =	sadd.s32 s21, s3;
	s21 =	simm.s32 $0x7D  }
0x16: {  	[dreg:$0x8] =	wrdreg s5;
	s24 =	sadd.s32 $0x3000, s12;
	s20 =	sshrl.u32 s1, $0x3  }
0x17: {  	v0 =	vimm.f32 $1.000000000e+00;
	vm0 =	vcmask $0x3F0C;
	s1 =	simm.s32 $0x3;
	[dreg:$0xa] =	wrdreg s24;
	s24 =	simm.s32 $0xBF40  }
.LBB2_4:
0x18: {  	_ =	swait.ge [sflag:s31], $0x1F40  }
0x19: {  	[sflag:s31] =	ssyncset.done $0x0  }
0x1a: {  	[sflag:s31] =	ssyncadd.s32 $0xFFFFE0C0  }
0x1b: {  	[spmem:s3] =	stream.indirect.scatter.add.f32 [tilespmem:s19], [sflag:$0x6], $0x10, s16, s23, $0xb8;
	[tilespmem:$0x1EA00] =	vst v63  }
0x1c: {  	_ =	swait.ge [sflag:s14], $0x800  }
0x1d: {  	[sflag:s14] =	ssyncset.done $0x0  }
0x1e: {  	s5 =	simm.s32 $0x14580;
	s7 =	simm.s32 $0x12500;
	[sflag:s14] =	ssyncadd.s32 $0xFFFFF800  }
0x1f: {  	[spmem:s3] =	stream.indirect.scatter.add.f32 [tilespmem:s7], [sflag:$0x6], $0x10, s5, s23, $0xb8;
	[tilespmem:$0x1EA00] =	vst v63  }
0x20: {  	_ =	swait.ge [sflag:s14], $0x800  }
0x21: {  	[sflag:s14] =	ssyncset.done $0x0  }
0x22: {  	s12 =	simm.s32 $0x14600;
	s25 =	simm.s32 $0x12D00;
	[sflag:s14] =	ssyncadd.s32 $0xFFFFF800  }
0x23: {  	[spmem:s3] =	stream.indirect.scatter.add.f32 [tilespmem:s25], [sflag:$0x6], $0x10, s12, s23, $0xb8;
	[tilespmem:$0x1EA00] =	vst v63  }
0x24: {  	_ =	swait.ge [sflag:s14], $0x800  }
0x25: {  	[sflag:s14] =	ssyncset.done $0x0  }
0x26: {  	s8 =	simm.s32 $0x13500;
	s7 =	simm.s32 $0x14680;
	[sflag:s14] =	ssyncadd.s32 $0xFFFFF800  }
0x27: {  	[spmem:s3] =	stream.indirect.scatter.add.f32 [tilespmem:s8], [sflag:$0x6], $0x10, s7, s23, $0xb8;
	[tilespmem:$0x1EA00] =	vst v63  }
0x28: {  	_ =	swait.ge [sflag:s14], $0x800  }
0x29: {  	[sflag:s14] =	ssyncset.done $0x0  }
0x2a: {  	s10 =	simm.s32 $0x14700;
	s12 =	simm.s32 $0x13D00;
	[sflag:s14] =	ssyncadd.s32 $0xFFFFF800  }
0x2b: {  	[spmem:s3] =	stream.indirect.scatter.add.f32 [tilespmem:s12], [sflag:$0x6], $0x10, s10, s23, $0xb8;
	[tilespmem:$0x1EA00] =	vst v63  }
0x2c: {  	_ =	swait.ge [sflag:s14], $0x800  }
0x2d: {  	[sflag:s14] =	ssyncset.done $0x0  }
0x2e: {  	[sflag:s14] =	ssyncadd.s32 $0xFFFFF800  }
0x2f: {  	[bflag:$0x0] =	sbarrier.arrive $0xFFFF  }
0x30: {  	s25 =	rddreg [dreg:$0xa]  }
0x31: {  	[hbm:s25], [sflag:s17] =	dma.local [spmem:s18], $0x1400  }
0x32: {  	s15 =	sadd.s32 $0x1, s15;
	_ =	swait.ge [sflag:s14], $0x1400  }
0x33: {  	p1 =	sne.s32 s15, s13;
	[sflag:s14] =	ssyncset.done $0x0  }
0x34: {  	s5 =	sshrl.u32 @!p0 s3, $0x3;
	s7 =	rddreg [dreg:$0x8];
	[sflag:s14] =	ssyncadd.s32 $0xFFFFEC00  }
0x35: {  	[hbm:s7], [sflag:s17] =	dma.local @!p0 [spmem:s5], $0x500  }
.Ltmp1:
0x36: {  	_ = 	snop;
	(pc) =	sbr.rel @!p1 .LBB2_5-.Ltmp1, $4  }
0x37: {  	s5 =	simm.s32 @!p0 $0x6  }
0x38: {  	_ =	swait.ge @!p0 [sflag:s5], $0x500  }
0x39: {  	[sflag:s5] =	ssyncset.done @!p0 $0x0  }
0x3a: {  	[sflag:s5] =	ssyncadd.s32 @!p0 $0xFFFFFB00  }
.LBB2_1:
0x3b: {  	[tilespmem:s4], [sflag:$0x6] =	stream.linear.gather [hbm4b:s9+s4], $0x5000, $0x38;
	[tilespmem:$0x1EA00] =	vst v63  }
0x3c: {  	_ =	swait.ge [sflag:s14], $0x5000  }
0x3d: {  	[sflag:s14] =	ssyncset.done $0x0  }
0x3e: {  	s7 =	simm.s32 $0x5000;
	s5 =	rddreg [dreg:$0x9];
	[sflag:s14] =	ssyncadd.s32 $0xFFFFB000  }
0x3f: {  	[tilespmem:s7], [sflag:$0x6] =	stream.linear.gather [hbm4b:s5+s4], $0x5000, $0x38;
	[tilespmem:$0x1EA00] =	vst v63  }
0x40: {  	_ =	swait.ge [sflag:s14], $0x5000  }
0x41: {  	[sflag:s14] =	ssyncset.done $0x0  }
0x42: {  	s10 =	rddreg [dreg:$0x7];
	[sflag:s14] =	ssyncadd.s32 $0xFFFFB000  }
0x43: {  	[tilespmem:s16], [sflag:$0x6] =	stream.linear.gather [hbm4b:s10+s4], $0x280, $0x38;
	[tilespmem:$0x1EA00] =	vst v63  }
0x44: {  	_ =	swait.ge [sflag:s14], $0x280  }
0x45: {  	[sflag:s14] =	ssyncset.done $0x0  }
0x46: {  	s12 =	rddreg [dreg:$0x6];
	[sflag:s14] =	ssyncadd.s32 $0xFFFFFD80  }
0x47: {  	[spmem:s18], [sflag:s17] =	dma.local [hbm:s12], $0x1400  }
0x48: {  	_ =	swait.ge [sflag:s14], $0x1400  }
0x49: {  	[sflag:s14] =	ssyncset.done $0x0  }
0x4a: {  	[sflag:s14] =	ssyncadd.s32 $0xFFFFEC00  }
0x4b: {  	[tilespmem:s19], [sflag:$0x6] =	stream.linear.gather [hbm4b:s6+s4], $0x2800, $0x38;
	[tilespmem:$0x1EA00] =	vst v63  }
0x4c: {  	_ =	swait.ge [sflag:s14], $0x2800  }
0x4d: {  	[sflag:s14] =	ssyncset.done $0x0  }
0x4e: {  	[sflag:s14] =	ssyncadd.s32 $0xFFFFD800  }
0x4f: {  	[spmem:s20], [sflag:s17] =	dma.local [hbm:s6], $0x50  }
0x50: {  	_ =	swait.ge [sflag:s14], $0x50  }
0x51: {  	[sflag:s14] =	ssyncset.done $0x0  }
0x52: {  	[sflag:s14] =	ssyncadd.s32 $0xFFFFFFB0  }
0x53: {  	[bflag:$0x0] =	sbarrier.arrive $0xFFFF  }
0x54: {  	[tilespmem:s22], [sflag:$0x1] =	stream.indirect.gather [hbm4b:s11+s21], $0x40, s4, s21, $0xb8;
	[tilespmem:$0x1EA00] =	vst v63  }
0x55: {  	_ = 	snop  }
0x56: {  	[tilespmem:s24], [sflag:$0x2] =	stream.indirect.gather [hbm4b:s11+s21], $0x40, s23, s21, $0xb8;
	[tilespmem:$0x1EA00] =	vst v63  }
0x57: {  	s25 =	simm.s32 $0x100  }
0x58: {  	[tilespmem:s26], [sflag:$0x3] =	stream.indirect.gather [hbm4b:s11+s21], $0x40, s25, s21, $0xb8;
	[tilespmem:$0x1EA00] =	vst v63  }
0x59: {  	s25 =	simm.s32 $0x0  }
.LBB2_2:
0x5a: {  	_ =	swait.ge [sflag:s28], $0x1F40  }
0x5b: {  	s5 =	sshra.s32 s25, $0x2;
	[sflag:s28] =	ssyncset.done $0x0  }
0x5c: {  	s7 =	sadd.s32 $0x5000, s5;
	[sflag:s28] =	ssyncadd.s32 $0xFFFFE0C0  }
0x5d: {  	[spmem:s2] =	stream.indirect.scatter.add.f32 [tilespmem:s22], [sflag:$0x5], $0x40, s7, s21, $0xb8;
	[tilespmem:$0x1EA00] =	vst v63  }
0x5e: {  	v1 =	vld [tilespmem:s5+$0x5000];
	_ =	sdelay $0x7  }
0x5f: {  	[tilespmem:v1+s19+$0x0] =	vst.idx.add.f32.msk $0xffff, v0  }
0x60: {  	v1 =	vld [tilespmem:s5+$0x5010];
	_ =	sdelay $0x7  }
0x61: {  	[tilespmem:v1+s19+$0x0] =	vst.idx.add.f32.msk $0xffff, v0  }
0x62: {  	v1 =	vld [tilespmem:s5+$0x5020];
	_ =	sdelay $0x7  }
0x63: {  	[tilespmem:v1+s19+$0x0] =	vst.idx.add.f32.msk $0xffff, v0  }
0x64: {  	v1 =	vld [tilespmem:s5+$0x5030];
	_ =	sdelay $0x7  }
0x65: {  	[tilespmem:v1+s19+$0x0] =	vst.idx.add.f32.msk $0xffff, v0  }
0x66: {  	v1 =	vld [tilespmem:s5+$0x5040];
	_ =	sdelay $0x7  }
0x67: {  	[tilespmem:v1+s19+$0x0] =	vst.idx.add.f32.msk $0xffff, v0  }
0x68: {  	v1 =	vld [tilespmem:s5+$0x5050];
	_ =	sdelay $0x7  }
0x69: {  	[tilespmem:v1+s19+$0x0] =	vst.idx.add.f32.msk $0xffff, v0  }
0x6a: {  	v1 =	vld [tilespmem:s5+$0x5060];
	_ =	sdelay $0x7  }
0x6b: {  	[tilespmem:v1+s19+$0x0] =	vst.idx.add.f32.msk $0xffff, v0  }
0x6c: {  	v1 =	vld [tilespmem:s5+$0x506D];
	_ =	sdelay $0x6  }
0x6d: {  	p1 =	seq.s32 s25, $0x0  }
0x6e: {  	s7 =	simm.s32 @!p1 $0x5;
	[tilespmem:v1+s19+$0x0] =	vst.idx.add.f32.msk vm0, v0  }
0x6f: {  	_ =	swait.ge @!p1 [sflag:s7], $0x1F40  }
0x70: {  	[sflag:s7] =	ssyncset.done @!p1 $0x0  }
0x71: {  	s8 =	sadd.s32 $0x180, s5;
	[sflag:s7] =	ssyncadd.s32 @!p1 $0xFFFFE0C0  }
0x72: {  	[tilespmem:s29], [sflag:$0x4] =	stream.indirect.gather [hbm4b:s11+s21], $0x40, s8, s21, $0xb8;
	[tilespmem:$0x1EA00] =	vst v63  }
0x73: {  	_ =	swait.ge [sflag:s30], $0x1F40  }
0x74: {  	[sflag:s30] =	ssyncset.done $0x0  }
0x75: {  	s10 =	sadd.s32 $0x5080, s5;
	[sflag:s30] =	ssyncadd.s32 $0xFFFFE0C0  }
0x76: {  	[spmem:s2] =	stream.indirect.scatter.add.f32 [tilespmem:s24], [sflag:$0x5], $0x40, s10, s21, $0xb8;
	[tilespmem:$0x1EA00] =	vst v63  }
0x77: {  	v1 =	vld [tilespmem:s5+$0x5080];
	_ =	sdelay $0x7  }
0x78: {  	[tilespmem:v1+s19+$0x0] =	vst.idx.add.f32.msk $0xffff, v0  }
0x79: {  	v1 =	vld [tilespmem:s5+$0x5090];
	_ =	sdelay $0x7  }
0x7a: {  	[tilespmem:v1+s19+$0x0] =	vst.idx.add.f32.msk $0xffff, v0  }
0x7b: {  	v1 =	vld [tilespmem:s5+$0x50A0];
	_ =	sdelay $0x7  }
0x7c: {  	[tilespmem:v1+s19+$0x0] =	vst.idx.add.f32.msk $0xffff, v0  }
0x7d: {  	v1 =	vld [tilespmem:s5+$0x50B0];
	_ =	sdelay $0x7  }
0x7e: {  	[tilespmem:v1+s19+$0x0] =	vst.idx.add.f32.msk $0xffff, v0  }
0x7f: {  	v1 =	vld [tilespmem:s5+$0x50C0];
	_ =	sdelay $0x7  }
0x80: {  	[tilespmem:v1+s19+$0x0] =	vst.idx.add.f32.msk $0xffff, v0  }
0x81: {  	v1 =	vld [tilespmem:s5+$0x50D0];
	_ =	sdelay $0x7  }
0x82: {  	[tilespmem:v1+s19+$0x0] =	vst.idx.add.f32.msk $0xffff, v0  }
0x83: {  	v1 =	vld [tilespmem:s5+$0x50E0];
	_ =	sdelay $0x7  }
0x84: {  	[tilespmem:v1+s19+$0x0] =	vst.idx.add.f32.msk $0xffff, v0  }
0x85: {  	v1 =	vld [tilespmem:s5+$0x50ED];
	_ =	sdelay $0x7  }
0x86: {  	[tilespmem:v1+s19+$0x0] =	vst.idx.add.f32.msk vm0, v0  }
0x87: {  	p1 =	seq.s32 s25, $0x13800;
	_ =	swait.ge [sflag:s31], $0x1F40  }
0x88: {  	s7 =	sshra.s32 @!p1 s25, $0x2;
	s12 =	simm.s32 @!p1 $0xA000;
	[sflag:s31] =	ssyncset.done $0x0  }
0x89: {  	s8 =	sadd.s32 @!p1 $0x200, s7;
	s10 =	simm.s32 @!p1 $0x7D;
	[sflag:s31] =	ssyncadd.s32 $0xFFFFE0C0  }
0x8a: {  	[tilespmem:s12], [sflag:$0x1] =	stream.indirect.gather @!p1 [hbm4b:s11+s10], $0x40, s8, s10, $0xb8;
	[tilespmem:$0x1EA00] =	vst v63  }
0x8b: {  	_ =	swait.ge [sflag:s1], $0x1F40  }
0x8c: {  	[sflag:s1] =	ssyncset.done $0x0  }
0x8d: {  	s12 =	sadd.s32 $0x5100, s5;
	[sflag:s1] =	ssyncadd.s32 $0xFFFFE0C0  }
0x8e: {  	[spmem:s2] =	stream.indirect.scatter.add.f32 [tilespmem:s26], [sflag:$0x5], $0x40, s12, s21, $0xb8;
	[tilespmem:$0x1EA00] =	vst v63  }
0x8f: {  	v1 =	vld [tilespmem:s5+$0x5100];
	_ =	sdelay $0x7  }
0x90: {  	[tilespmem:v1+s19+$0x0] =	vst.idx.add.f32.msk $0xffff, v0  }
0x91: {  	v1 =	vld [tilespmem:s5+$0x5110];
	_ =	sdelay $0x7  }
0x92: {  	[tilespmem:v1+s19+$0x0] =	vst.idx.add.f32.msk $0xffff, v0  }
0x93: {  	v1 =	vld [tilespmem:s5+$0x5120];
	_ =	sdelay $0x7  }
0x94: {  	[tilespmem:v1+s19+$0x0] =	vst.idx.add.f32.msk $0xffff, v0  }
0x95: {  	v1 =	vld [tilespmem:s5+$0x5130];
	_ =	sdelay $0x7  }
0x96: {  	[tilespmem:v1+s19+$0x0] =	vst.idx.add.f32.msk $0xffff, v0  }
0x97: {  	v1 =	vld [tilespmem:s5+$0x5140];
	_ =	sdelay $0x7  }
0x98: {  	[tilespmem:v1+s19+$0x0] =	vst.idx.add.f32.msk $0xffff, v0  }
0x99: {  	v1 =	vld [tilespmem:s5+$0x5150];
	_ =	sdelay $0x7  }
0x9a: {  	[tilespmem:v1+s19+$0x0] =	vst.idx.add.f32.msk $0xffff, v0  }
0x9b: {  	v1 =	vld [tilespmem:s5+$0x5160];
	_ =	sdelay $0x7  }
0x9c: {  	[tilespmem:v1+s19+$0x0] =	vst.idx.add.f32.msk $0xffff, v0  }
0x9d: {  	v1 =	vld [tilespmem:s5+$0x516D];
	_ =	sdelay $0x7  }
0x9e: {  	[tilespmem:v1+s19+$0x0] =	vst.idx.add.f32.msk vm0, v0  }
0x9f: {  	_ =	swait.ge [sflag:s31], $0x1F40  }
0xa0: {  	[sflag:s31] =	ssyncset.done $0x0  }
0xa1: {  	s7 =	sadd.s32 @!p1 $0x280, s7;
	s8 =	simm.s32 @!p1 $0xBF40;
	[sflag:s31] =	ssyncadd.s32 $0xFFFFE0C0  }
0xa2: {  	[tilespmem:s8], [sflag:$0x2] =	stream.indirect.gather @!p1 [hbm4b:s11+s10], $0x40, s7, s10, $0xb8;
	[tilespmem:$0x1EA00] =	vst v63  }
0xa3: {  	_ =	swait.ge [sflag:s0], $0x1F40  }
0xa4: {  	[sflag:s0] =	ssyncset.done $0x0  }
0xa5: {  	s12 =	sadd.s32 $0x5180, s5;
	[sflag:s0] =	ssyncadd.s32 $0xFFFFE0C0  }
0xa6: {  	[spmem:s2] =	stream.indirect.scatter.add.f32 [tilespmem:s29], [sflag:$0x5], $0x40, s12, s21, $0xb8;
	[tilespmem:$0x1EA00] =	vst v63  }
0xa7: {  	v1 =	vld [tilespmem:s5+$0x5180];
	_ =	sdelay $0x7  }
0xa8: {  	[tilespmem:v1+s19+$0x0] =	vst.idx.add.f32.msk $0xffff, v0  }
0xa9: {  	v1 =	vld [tilespmem:s5+$0x5190];
	_ =	sdelay $0x7  }
0xaa: {  	[tilespmem:v1+s19+$0x0] =	vst.idx.add.f32.msk $0xffff, v0  }
0xab: {  	v1 =	vld [tilespmem:s5+$0x51A0];
	_ =	sdelay $0x7  }
0xac: {  	[tilespmem:v1+s19+$0x0] =	vst.idx.add.f32.msk $0xffff, v0  }
0xad: {  	v1 =	vld [tilespmem:s5+$0x51B0];
	_ =	sdelay $0x7  }
0xae: {  	[tilespmem:v1+s19+$0x0] =	vst.idx.add.f32.msk $0xffff, v0  }
0xaf: {  	v1 =	vld [tilespmem:s5+$0x51C0];
	_ =	sdelay $0x7  }
0xb0: {  	[tilespmem:v1+s19+$0x0] =	vst.idx.add.f32.msk $0xffff, v0  }
0xb1: {  	v1 =	vld [tilespmem:s5+$0x51D0];
	_ =	sdelay $0x7  }
0xb2: {  	[tilespmem:v1+s19+$0x0] =	vst.idx.add.f32.msk $0xffff, v0  }
0xb3: {  	v1 =	vld [tilespmem:s5+$0x51E0];
	_ =	sdelay $0x7  }
0xb4: {  	[tilespmem:v1+s19+$0x0] =	vst.idx.add.f32.msk $0xffff, v0  }
0xb5: {  	v1 =	vld [tilespmem:s5+$0x51ED];
	_ =	sdelay $0x6  }
.Ltmp2:
0xb6: {  	_ = 	snop;
	(pc) =	sbr.rel @p1 .LBB2_4-.Ltmp2, $4  }
0xb7: {  	[tilespmem:v1+s19+$0x0] =	vst.idx.add.f32.msk vm0, v0  }
0xb8: {  	_ =	swait.ge [sflag:s31], $0x1F40  }
0xb9: {  	[sflag:s31] =	ssyncset.done $0x0  }
0xba: {  	[sflag:s31] =	ssyncadd.s32 $0xFFFFE0C0  }
.Ltmp3:
0xbb: {  	(pc) =	sbr.rel .LBB2_2-.Ltmp3, $3  }
0xbc: {  	_ =	sdelay $0x1  }
0xbd: {  	s5 =	sadd.s32 $0x300, s5;
	s25 =	sadd.s32 $0x800, s25  }
0xbe: {  	[tilespmem:s26], [sflag:$0x3] =	stream.indirect.gather [hbm4b:s11+s21], $0x40, s5, s21, $0xb8;
	[tilespmem:$0x1EA00] =	vst v63  }
.LBB2_5:
0xbf: {  	_ =	sfence.sel $0x180000  }
0xc0: {  	[bflag:$0x0] =	sbarrier.arrive $0xFFFF  }
0xc1: {  	_ =	strace $0x90000047  }
0xc2: {  	s0 =	stileid.u32;
	[bflag:$0x2] =	sbarrier.arrive $0xFFFF  }
0xc3: {  	p0 =	sne.s32 s0, $0x0;
	s0 =	rddreg [dreg:$0x5]  }
0xc4: {  	s0 =	sadd.s32 @!p0 $0x100000, s0  }
0xc5: {  	[sflag:s0] =	ssyncadd.tile.s32 @!p0 $0x1;
	_ =	shalt  }
.Lfunc_end2:
_tile_overlayer_lowered:
.L_overlay_start_2:
0xc6: {  	(tag) =	ssettag $0x2  }
0xc7: {  	s0 =	rddreg [dreg:$0x0];
	s2 =	stileid.u32  }
0xc8: {  	s1 =	rddreg [dreg:$0x1];
	p0 =	sne.s32 s2, $0x0  }
0xc9: {  	s3 =	rddreg [dreg:$0x2];
	[bflag:$0x3] =	sbarrier.arrive $0xFFFF;
	s2 =	simm.s32 @!p0 $0x1C06  }
0xca: {  	[timem:s3], [sflag:s2] =	dma.local @!p0 [hbm:s0], s1  }
0xcb: {  	s0 =	simm.s32 @!p0 $0x6  }
0xcc: {  	_ =	swait.ge @!p0 [sflag:s0], s1  }
0xcd: {  	s1 =	ssub.s32 @!p0 $0x0, s1;
	[sflag:s0] =	ssyncset.done @!p0 $0x0  }
0xce: {  	[sflag:s0] =	ssyncadd.s32 @!p0 s1  }
0xcf: {  	[bflag:$0x3] =	sbarrier.arrive $0xFFFF  }
0xd0: {  	_ =	shalt  }

</sc_bundles>
